<compile_context>
chip_gen: v7x
topology: tpu7x:2x2x1
jax: 0.10.2.dev20260603
libtpu: 0.0.44.dev20260713+nightly
codegen_flags: <defaults>
</compile_context>

<pallas_src>
import functools

import jax
import jax.numpy as jnp
from jax import lax
from jax.experimental import pallas as pl
from jax.experimental.pallas import tpu as pltpu
from jax.experimental.pallas import tpu_sc as plsc

BATCH = 4096
MAX_LEN = 50
EMB = 32
NUM_WORKERS = 32
ITEMS = BATCH // NUM_WORKERS
NBUF = 5


def _sc_partials(x, table, w2d):
    mesh = plsc.VectorSubcoreMesh(core_axis_name="c", subcore_axis_name="s")

    @functools.partial(
        pl.kernel,
        out_type=jax.ShapeDtypeStruct((BATCH, EMB), jnp.float32),
        mesh=mesh,
        scratch_types=[
            pltpu.VMEM((ITEMS, MAX_LEN), jnp.int32),
            pltpu.VMEM((MAX_LEN, ITEMS), jnp.int32),
            pltpu.VMEM((ITEMS, EMB), jnp.float32),
            pltpu.VMEM((MAX_LEN, EMB), jnp.float32),
        ]
        + [pltpu.VMEM((ITEMS, EMB), jnp.float32) for _ in range(NBUF)]
        + [pltpu.SemaphoreType.DMA for _ in range(NBUF)],
        compiler_params=pltpu.CompilerParams(
            use_tc_tiling_on_sc=False, needs_layout_passes=False),
    )
    def sc_kernel(x_hbm, table_hbm, w_hbm, out_hbm,
                  raw_v, idx_v, acc_v, w_v, *bufs):
        rows = bufs[:NBUF]
        sems = bufs[NBUF:]
        wid = lax.axis_index("c") * 16 + lax.axis_index("s")
        pltpu.sync_copy(w_hbm, w_v)
        pltpu.sync_copy(x_hbm.at[pl.ds(wid * ITEMS, ITEMS)], raw_v)

        iota16 = lax.iota(jnp.int32, 16)

        @pl.loop(0, MAX_LEN)
        def _(l):
            for g in range(ITEMS // 16):
                rvec = iota16 + (g * 16)
                vals = plsc.load_gather(raw_v, [rvec, jnp.broadcast_to(l, (16,))])
                idx_v[l, pl.ds(g * 16, 16)] = vals

        def gdesc(l, b):
            return pltpu.make_async_copy(
                table_hbm.at[idx_v.at[l]], rows[b], sems[b])

        for b in range(NBUF):
            gdesc(b, b).start()

        @pl.loop(0, ITEMS)
        def _(j):
            acc_v[j, pl.ds(0, 16)] = jnp.zeros((16,), jnp.float32)
            acc_v[j, pl.ds(16, 16)] = jnp.zeros((16,), jnp.float32)

        @pl.loop(0, MAX_LEN, step=NBUF)
        def _(base):
            for b in range(NBUF):
                l = base + b
                gdesc(l, b).wait()
                wl0 = w_v[l, pl.ds(0, 16)]
                wl1 = w_v[l, pl.ds(16, 16)]
                rows_b = rows[b]

                @pl.loop(0, ITEMS, step=4)
                def _(j):
                    for u in range(4):
                        r0 = rows_b[j + u, pl.ds(0, 16)]
                        r1 = rows_b[j + u, pl.ds(16, 16)]
                        plsc.addupdate(acc_v.at[j + u, pl.ds(0, 16)], r0 * wl0)
                        plsc.addupdate(acc_v.at[j + u, pl.ds(16, 16)], r1 * wl1)

                @pl.when(l + NBUF < MAX_LEN)
                def _():
                    gdesc(l + NBUF, b).start()

        pltpu.sync_copy(acc_v, out_hbm.at[pl.ds(wid * ITEMS, ITEMS)])

    return sc_kernel(x, table, w2d)


def _tc_finish_body(p_ref, b_ref, o_ref):
    s = jnp.sum(p_ref[...], axis=1, keepdims=True) + b_ref[0, 0]
    o_ref[...] = jax.nn.sigmoid(s)


def kernel(x, table, W, b):
    partials = _sc_partials(x.astype(jnp.int32), table,
                            W.astype(jnp.float32).reshape(MAX_LEN, EMB))
    out = pl.pallas_call(
        _tc_finish_body,
        out_shape=jax.ShapeDtypeStruct((BATCH, 1), jnp.float32),
    )(partials, b.reshape(1, 1))
    return out

# --- scband reference (transcript-rebuilt; emitter-appended) ---
"""Pipeline reference for scband-simple-model-86569360818231 (READ-ONLY COPY).

The authoritative reference and input builder live on the scoring server;
editing this copy changes nothing except your own understanding.
"""

import jax, jax.numpy as jnp
import numpy as np

VOCAB = 1000000
EMB = 32
MAX_LEN = 50
BATCH = 4096

def setup_inputs(seed: int = 0) -> dict:
    key = jax.random.key(seed)
    k1, k2, k3, k4 = jax.random.split(key, 4)
    x = jax.random.randint(k1, (BATCH, MAX_LEN), 0, VOCAB, dtype=jnp.int64 if jax.config.jax_enable_x64 else jnp.int32)
    table = jax.random.normal(k2, (VOCAB, EMB), dtype=jnp.float32)
    W = jax.random.normal(k3, (1, EMB * MAX_LEN), dtype=jnp.float32) * (1.0 / np.sqrt(EMB * MAX_LEN))
    b = jax.random.normal(k4, (1,), dtype=jnp.float32) * 0.01
    return {"x": x, "table": table, "W": W, "b": b}

def reference(x, table, W, b):
    embedded = jnp.take(table, x, axis=0)            # [B, L, E]
    flattened = embedded.reshape(embedded.shape[0], -1)  # [B, L*E]
    out = flattened @ W.T + b                        # [B, 1]
    return jax.nn.sigmoid(out)

if __name__ == "__main__":
    import jax
    _d = setup_inputs()
    print(jax.jit(kernel)(*tuple(_d.values())))

</pallas_src>

<mosaic_0001>
#map = affine_map<(d0, d1) -> (0, 0)>
module attributes {stable_mosaic.version = 14 : i64} {
  func.func @sc_kernel(%arg0: i32, %arg1: i32, %arg2: memref<4096x50xi32, #tpu.memory_space<hbm>>, %arg3: memref<1000000x32xf32, #tpu.memory_space<hbm>>, %arg4: memref<50x32xf32, #tpu.memory_space<hbm>>, %arg5: memref<4096x32xf32, #tpu.memory_space<hbm>>, %arg6: memref<128x50xi32, #tpu.memory_space<vmem>>, %arg7: memref<50x128xi32, #tpu.memory_space<vmem>>, %arg8: memref<128x32xf32, #tpu.memory_space<vmem>>, %arg9: memref<50x32xf32, #tpu.memory_space<vmem>>, %arg10: memref<128x32xf32, #tpu.memory_space<vmem>>, %arg11: memref<128x32xf32, #tpu.memory_space<vmem>>, %arg12: memref<128x32xf32, #tpu.memory_space<vmem>>, %arg13: memref<128x32xf32, #tpu.memory_space<vmem>>, %arg14: memref<128x32xf32, #tpu.memory_space<vmem>>, %arg15: memref<!tpu.dma_semaphore, #tpu.memory_space<semaphore_mem>>, %arg16: memref<!tpu.dma_semaphore, #tpu.memory_space<semaphore_mem>>, %arg17: memref<!tpu.dma_semaphore, #tpu.memory_space<semaphore_mem>>, %arg18: memref<!tpu.dma_semaphore, #tpu.memory_space<semaphore_mem>>, %arg19: memref<!tpu.dma_semaphore, #tpu.memory_space<semaphore_mem>>) attributes {dimension_semantics = [#tpu.dimension_semantics<core_parallel>, #tpu.dimension_semantics<subcore_parallel>], iteration_bounds = array<i64: 2, 16>, scalar_prefetch = 0 : i64, scratch_operands = 14 : i64, tpu.core_type = #tpu.core_type<sc_vector_subcore>, window_params = [{transform_indices = #map}, {transform_indices = #map}, {transform_indices = #map}, {transform_indices = #map}]} {
    %mul3A = arith.constant 16 : i32
    %mul3A_0 = arith.muli %arg0, %mul3A : i32
    %add3A = arith.addi %mul3A_0, %arg1 : i32
    "tpu.region"() ({
      %run_scoped3A = tpu.sem_alloc : memref<!tpu.dma_semaphore, #tpu.memory_space<semaphore_mem>>
      tpu.enqueue_dma source(%arg4 : memref<50x32xf32, #tpu.memory_space<hbm>>) target(%arg9 : memref<50x32xf32, #tpu.memory_space<vmem>>) target_semaphore(%run_scoped3A : memref<!tpu.dma_semaphore, #tpu.memory_space<semaphore_mem>>)
      tpu.wait_dma2 semaphore(%run_scoped3A : memref<!tpu.dma_semaphore, #tpu.memory_space<semaphore_mem>>) src(%arg4 : memref<50x32xf32, #tpu.memory_space<hbm>>) dst(%arg9 : memref<50x32xf32, #tpu.memory_space<vmem>>)
      tpu.yield
    }) : () -> ()
    %mul3A_1 = arith.constant 128 : i32
    %mul3A_2 = arith.muli %add3A, %mul3A_1 : i32
    "tpu.region"() ({
      %run_scoped3A = tpu.sem_alloc : memref<!tpu.dma_semaphore, #tpu.memory_space<semaphore_mem>>
      %dma_start3A_53 = arith.constant 0 : i32
      %dma_start3A_54 = tpu.memref_slice %arg2[%mul3A_2, %dma_start3A_53] : memref<4096x50xi32, #tpu.memory_space<hbm>> -> memref<128x50xi32, #tpu.memory_space<hbm>>
      %dma_start3A_55 = arith.constant 0 : i32
      %dma_start3A_56 = tpu.memref_slice %arg2[%mul3A_2, %dma_start3A_55] : memref<4096x50xi32, #tpu.memory_space<hbm>> -> memref<128x50xi32, #tpu.memory_space<hbm>>
      tpu.enqueue_dma source(%dma_start3A_56 : memref<128x50xi32, #tpu.memory_space<hbm>>) target(%arg6 : memref<128x50xi32, #tpu.memory_space<vmem>>) target_semaphore(%run_scoped3A : memref<!tpu.dma_semaphore, #tpu.memory_space<semaphore_mem>>)
      %dma_wait3A = arith.constant 0 : i32
      %dma_wait3A_57 = tpu.memref_slice %arg2[%mul3A_2, %dma_wait3A] : memref<4096x50xi32, #tpu.memory_space<hbm>> -> memref<128x50xi32, #tpu.memory_space<hbm>>
      %dma_wait3A_58 = arith.constant 0 : i32
      %dma_wait3A_59 = tpu.memref_slice %arg2[%mul3A_2, %dma_wait3A_58] : memref<4096x50xi32, #tpu.memory_space<hbm>> -> memref<128x50xi32, #tpu.memory_space<hbm>>
      tpu.wait_dma2 semaphore(%run_scoped3A : memref<!tpu.dma_semaphore, #tpu.memory_space<semaphore_mem>>) src(%dma_wait3A_59 : memref<128x50xi32, #tpu.memory_space<hbm>>) dst(%arg6 : memref<128x50xi32, #tpu.memory_space<vmem>>)
      tpu.yield
    }) : () -> ()
    %iota3A = tpu.iota {dimensions = array<i32: 0>} : vector<16xi32>
    %scan3A = arith.constant 0 : i32
    %scan3A_3 = arith.constant 50 : i32
    %scan3A_4 = arith.addi %scan3A, %scan3A_3 : i32
    %scan3A_5 = arith.constant 1 : i32
    scf.for %scan3A_53 = %scan3A to %scan3A_4 step %scan3A_5  : i32 {
      %mul3A_54 = arith.constant 1 : i32
      %mul3A_55 = arith.muli %scan3A_53, %mul3A_54 : i32
      %add3A_56 = arith.constant 0 : i32
      %add3A_57 = arith.addi %add3A_56, %mul3A_55 : i32
      %add3A_58 = arith.constant 0 : i32
      %add3A_59 = vector.broadcast %add3A_58 : i32 to vector<16xi32>
      %add3A_60 = arith.addi %iota3A, %add3A_59 : vector<16xi32>
      %broadcast_in_dim3A = vector.broadcast %add3A_57 : i32 to vector<16xi32>
      %gather3A = tpu.vector_load_idx %arg6[%add3A_60, %broadcast_in_dim3A] : memref<128x50xi32, #tpu.memory_space<vmem>>[vector<16xi32>, vector<16xi32>], vector<16xi32>,
      %swap3A = arith.index_cast %add3A_57 : i32 to index
      %swap3A_61 = arith.constant 0 : index
      %swap3A_62 = tpu.vector_load %arg7[%swap3A, %swap3A_61] {strides = array<i32>} : memref<50x128xi32, #tpu.memory_space<vmem>>, vector<16xi32>,
      tpu.vector_store %arg7[%swap3A, %swap3A_61], %gather3A {strides = array<i32>} : memref<50x128xi32, #tpu.memory_space<vmem>>, vector<16xi32>,
      %add3A_63 = arith.constant 16 : i32
      %add3A_64 = vector.broadcast %add3A_63 : i32 to vector<16xi32>
      %add3A_65 = arith.addi %iota3A, %add3A_64 : vector<16xi32>
      %broadcast_in_dim3A_66 = vector.broadcast %add3A_57 : i32 to vector<16xi32>
      %gather3A_67 = tpu.vector_load_idx %arg6[%add3A_65, %broadcast_in_dim3A_66] : memref<128x50xi32, #tpu.memory_space<vmem>>[vector<16xi32>, vector<16xi32>], vector<16xi32>,
      %swap3A_68 = arith.index_cast %add3A_57 : i32 to index
      %swap3A_69 = arith.constant 16 : index
      %swap3A_70 = tpu.vector_load %arg7[%swap3A_68, %swap3A_69] {strides = array<i32>} : memref<50x128xi32, #tpu.memory_space<vmem>>, vector<16xi32>,
      tpu.vector_store %arg7[%swap3A_68, %swap3A_69], %gather3A_67 {strides = array<i32>} : memref<50x128xi32, #tpu.memory_space<vmem>>, vector<16xi32>,
      %add3A_71 = arith.constant 32 : i32
      %add3A_72 = vector.broadcast %add3A_71 : i32 to vector<16xi32>
      %add3A_73 = arith.addi %iota3A, %add3A_72 : vector<16xi32>
      %broadcast_in_dim3A_74 = vector.broadcast %add3A_57 : i32 to vector<16xi32>
      %gather3A_75 = tpu.vector_load_idx %arg6[%add3A_73, %broadcast_in_dim3A_74] : memref<128x50xi32, #tpu.memory_space<vmem>>[vector<16xi32>, vector<16xi32>], vector<16xi32>,
      %swap3A_76 = arith.index_cast %add3A_57 : i32 to index
      %swap3A_77 = arith.constant 32 : index
      %swap3A_78 = tpu.vector_load %arg7[%swap3A_76, %swap3A_77] {strides = array<i32>} : memref<50x128xi32, #tpu.memory_space<vmem>>, vector<16xi32>,
      tpu.vector_store %arg7[%swap3A_76, %swap3A_77], %gather3A_75 {strides = array<i32>} : memref<50x128xi32, #tpu.memory_space<vmem>>, vector<16xi32>,
      %add3A_79 = arith.constant 48 : i32
      %add3A_80 = vector.broadcast %add3A_79 : i32 to vector<16xi32>
      %add3A_81 = arith.addi %iota3A, %add3A_80 : vector<16xi32>
      %broadcast_in_dim3A_82 = vector.broadcast %add3A_57 : i32 to vector<16xi32>
      %gather3A_83 = tpu.vector_load_idx %arg6[%add3A_81, %broadcast_in_dim3A_82] : memref<128x50xi32, #tpu.memory_space<vmem>>[vector<16xi32>, vector<16xi32>], vector<16xi32>,
      %swap3A_84 = arith.index_cast %add3A_57 : i32 to index
      %swap3A_85 = arith.constant 48 : index
      %swap3A_86 = tpu.vector_load %arg7[%swap3A_84, %swap3A_85] {strides = array<i32>} : memref<50x128xi32, #tpu.memory_space<vmem>>, vector<16xi32>,
      tpu.vector_store %arg7[%swap3A_84, %swap3A_85], %gather3A_83 {strides = array<i32>} : memref<50x128xi32, #tpu.memory_space<vmem>>, vector<16xi32>,
      %add3A_87 = arith.constant 64 : i32
      %add3A_88 = vector.broadcast %add3A_87 : i32 to vector<16xi32>
      %add3A_89 = arith.addi %iota3A, %add3A_88 : vector<16xi32>
      %broadcast_in_dim3A_90 = vector.broadcast %add3A_57 : i32 to vector<16xi32>
      %gather3A_91 = tpu.vector_load_idx %arg6[%add3A_89, %broadcast_in_dim3A_90] : memref<128x50xi32, #tpu.memory_space<vmem>>[vector<16xi32>, vector<16xi32>], vector<16xi32>,
      %swap3A_92 = arith.index_cast %add3A_57 : i32 to index
      %swap3A_93 = arith.constant 64 : index
      %swap3A_94 = tpu.vector_load %arg7[%swap3A_92, %swap3A_93] {strides = array<i32>} : memref<50x128xi32, #tpu.memory_space<vmem>>, vector<16xi32>,
      tpu.vector_store %arg7[%swap3A_92, %swap3A_93], %gather3A_91 {strides = array<i32>} : memref<50x128xi32, #tpu.memory_space<vmem>>, vector<16xi32>,
      %add3A_95 = arith.constant 80 : i32
      %add3A_96 = vector.broadcast %add3A_95 : i32 to vector<16xi32>
      %add3A_97 = arith.addi %iota3A, %add3A_96 : vector<16xi32>
      %broadcast_in_dim3A_98 = vector.broadcast %add3A_57 : i32 to vector<16xi32>
      %gather3A_99 = tpu.vector_load_idx %arg6[%add3A_97, %broadcast_in_dim3A_98] : memref<128x50xi32, #tpu.memory_space<vmem>>[vector<16xi32>, vector<16xi32>], vector<16xi32>,
      %swap3A_100 = arith.index_cast %add3A_57 : i32 to index
      %swap3A_101 = arith.constant 80 : index
      %swap3A_102 = tpu.vector_load %arg7[%swap3A_100, %swap3A_101] {strides = array<i32>} : memref<50x128xi32, #tpu.memory_space<vmem>>, vector<16xi32>,
      tpu.vector_store %arg7[%swap3A_100, %swap3A_101], %gather3A_99 {strides = array<i32>} : memref<50x128xi32, #tpu.memory_space<vmem>>, vector<16xi32>,
      %add3A_103 = arith.constant 96 : i32
      %add3A_104 = vector.broadcast %add3A_103 : i32 to vector<16xi32>
      %add3A_105 = arith.addi %iota3A, %add3A_104 : vector<16xi32>
      %broadcast_in_dim3A_106 = vector.broadcast %add3A_57 : i32 to vector<16xi32>
      %gather3A_107 = tpu.vector_load_idx %arg6[%add3A_105, %broadcast_in_dim3A_106] : memref<128x50xi32, #tpu.memory_space<vmem>>[vector<16xi32>, vector<16xi32>], vector<16xi32>,
      %swap3A_108 = arith.index_cast %add3A_57 : i32 to index
      %swap3A_109 = arith.constant 96 : index
      %swap3A_110 = tpu.vector_load %arg7[%swap3A_108, %swap3A_109] {strides = array<i32>} : memref<50x128xi32, #tpu.memory_space<vmem>>, vector<16xi32>,
      tpu.vector_store %arg7[%swap3A_108, %swap3A_109], %gather3A_107 {strides = array<i32>} : memref<50x128xi32, #tpu.memory_space<vmem>>, vector<16xi32>,
      %add3A_111 = arith.constant 112 : i32
      %add3A_112 = vector.broadcast %add3A_111 : i32 to vector<16xi32>
      %add3A_113 = arith.addi %iota3A, %add3A_112 : vector<16xi32>
      %broadcast_in_dim3A_114 = vector.broadcast %add3A_57 : i32 to vector<16xi32>
      %gather3A_115 = tpu.vector_load_idx %arg6[%add3A_113, %broadcast_in_dim3A_114] : memref<128x50xi32, #tpu.memory_space<vmem>>[vector<16xi32>, vector<16xi32>], vector<16xi32>,
      %swap3A_116 = arith.index_cast %add3A_57 : i32 to index
      %swap3A_117 = arith.constant 112 : index
      %swap3A_118 = tpu.vector_load %arg7[%swap3A_116, %swap3A_117] {strides = array<i32>} : memref<50x128xi32, #tpu.memory_space<vmem>>, vector<16xi32>,
      tpu.vector_store %arg7[%swap3A_116, %swap3A_117], %gather3A_115 {strides = array<i32>} : memref<50x128xi32, #tpu.memory_space<vmem>>, vector<16xi32>,
    }
    %scan3A_6 = arith.constant 50 : i32
    %dma_start3A = arith.constant 0 : i32
    %dma_start3A_7 = arith.constant 0 : i32
    %dma_start3A_8 = tpu.memref_slice %arg7[%dma_start3A, %dma_start3A_7] : memref<50x128xi32, #tpu.memory_space<vmem>> -> memref<1x128xi32, #tpu.memory_space<vmem>>
    %dma_start3A_9 = tpu.memref_squeeze %dma_start3A_8 : memref<1x128xi32, #tpu.memory_space<vmem>> -> memref<128xi32, #tpu.memory_space<vmem>>
    %dma_start3A_10 = arith.constant 0 : i32
    %dma_start3A_11 = arith.constant 0 : i32
    %dma_start3A_12 = tpu.memref_slice %arg3[%dma_start3A_10, %dma_start3A_11] : memref<1000000x32xf32, #tpu.memory_space<hbm>> -> memref<1000000x32xf32, #tpu.memory_space<hbm>>
    tpu.enqueue_indirect_dma source(%dma_start3A_12 : memref<1000000x32xf32, #tpu.memory_space<hbm>>) target(%arg10 : memref<128x32xf32, #tpu.memory_space<vmem>>) offsets(%dma_start3A_9 : memref<128xi32, #tpu.memory_space<vmem>>) semaphore(%arg15 : memref<!tpu.dma_semaphore, #tpu.memory_space<semaphore_mem>>)
    %dma_start3A_13 = arith.constant 1 : i32
    %dma_start3A_14 = arith.constant 0 : i32
    %dma_start3A_15 = tpu.memref_slice %arg7[%dma_start3A_13, %dma_start3A_14] : memref<50x128xi32, #tpu.memory_space<vmem>> -> memref<1x128xi32, #tpu.memory_space<vmem>>
    %dma_start3A_16 = tpu.memref_squeeze %dma_start3A_15 : memref<1x128xi32, #tpu.memory_space<vmem>> -> memref<128xi32, #tpu.memory_space<vmem>>
    %dma_start3A_17 = arith.constant 0 : i32
    %dma_start3A_18 = arith.constant 0 : i32
    %dma_start3A_19 = tpu.memref_slice %arg3[%dma_start3A_17, %dma_start3A_18] : memref<1000000x32xf32, #tpu.memory_space<hbm>> -> memref<1000000x32xf32, #tpu.memory_space<hbm>>
    tpu.enqueue_indirect_dma source(%dma_start3A_19 : memref<1000000x32xf32, #tpu.memory_space<hbm>>) target(%arg11 : memref<128x32xf32, #tpu.memory_space<vmem>>) offsets(%dma_start3A_16 : memref<128xi32, #tpu.memory_space<vmem>>) semaphore(%arg16 : memref<!tpu.dma_semaphore, #tpu.memory_space<semaphore_mem>>)
    %dma_start3A_20 = arith.constant 2 : i32
    %dma_start3A_21 = arith.constant 0 : i32
    %dma_start3A_22 = tpu.memref_slice %arg7[%dma_start3A_20, %dma_start3A_21] : memref<50x128xi32, #tpu.memory_space<vmem>> -> memref<1x128xi32, #tpu.memory_space<vmem>>
    %dma_start3A_23 = tpu.memref_squeeze %dma_start3A_22 : memref<1x128xi32, #tpu.memory_space<vmem>> -> memref<128xi32, #tpu.memory_space<vmem>>
    %dma_start3A_24 = arith.constant 0 : i32
    %dma_start3A_25 = arith.constant 0 : i32
    %dma_start3A_26 = tpu.memref_slice %arg3[%dma_start3A_24, %dma_start3A_25] : memref<1000000x32xf32, #tpu.memory_space<hbm>> -> memref<1000000x32xf32, #tpu.memory_space<hbm>>
    tpu.enqueue_indirect_dma source(%dma_start3A_26 : memref<1000000x32xf32, #tpu.memory_space<hbm>>) target(%arg12 : memref<128x32xf32, #tpu.memory_space<vmem>>) offsets(%dma_start3A_23 : memref<128xi32, #tpu.memory_space<vmem>>) semaphore(%arg17 : memref<!tpu.dma_semaphore, #tpu.memory_space<semaphore_mem>>)
    %dma_start3A_27 = arith.constant 3 : i32
    %dma_start3A_28 = arith.constant 0 : i32
    %dma_start3A_29 = tpu.memref_slice %arg7[%dma_start3A_27, %dma_start3A_28] : memref<50x128xi32, #tpu.memory_space<vmem>> -> memref<1x128xi32, #tpu.memory_space<vmem>>
    %dma_start3A_30 = tpu.memref_squeeze %dma_start3A_29 : memref<1x128xi32, #tpu.memory_space<vmem>> -> memref<128xi32, #tpu.memory_space<vmem>>
    %dma_start3A_31 = arith.constant 0 : i32
    %dma_start3A_32 = arith.constant 0 : i32
    %dma_start3A_33 = tpu.memref_slice %arg3[%dma_start3A_31, %dma_start3A_32] : memref<1000000x32xf32, #tpu.memory_space<hbm>> -> memref<1000000x32xf32, #tpu.memory_space<hbm>>
    tpu.enqueue_indirect_dma source(%dma_start3A_33 : memref<1000000x32xf32, #tpu.memory_space<hbm>>) target(%arg13 : memref<128x32xf32, #tpu.memory_space<vmem>>) offsets(%dma_start3A_30 : memref<128xi32, #tpu.memory_space<vmem>>) semaphore(%arg18 : memref<!tpu.dma_semaphore, #tpu.memory_space<semaphore_mem>>)
    %dma_start3A_34 = arith.constant 4 : i32
    %dma_start3A_35 = arith.constant 0 : i32
    %dma_start3A_36 = tpu.memref_slice %arg7[%dma_start3A_34, %dma_start3A_35] : memref<50x128xi32, #tpu.memory_space<vmem>> -> memref<1x128xi32, #tpu.memory_space<vmem>>
    %dma_start3A_37 = tpu.memref_squeeze %dma_start3A_36 : memref<1x128xi32, #tpu.memory_space<vmem>> -> memref<128xi32, #tpu.memory_space<vmem>>
    %dma_start3A_38 = arith.constant 0 : i32
    %dma_start3A_39 = arith.constant 0 : i32
    %dma_start3A_40 = tpu.memref_slice %arg3[%dma_start3A_38, %dma_start3A_39] : memref<1000000x32xf32, #tpu.memory_space<hbm>> -> memref<1000000x32xf32, #tpu.memory_space<hbm>>
    tpu.enqueue_indirect_dma source(%dma_start3A_40 : memref<1000000x32xf32, #tpu.memory_space<hbm>>) target(%arg14 : memref<128x32xf32, #tpu.memory_space<vmem>>) offsets(%dma_start3A_37 : memref<128xi32, #tpu.memory_space<vmem>>) semaphore(%arg19 : memref<!tpu.dma_semaphore, #tpu.memory_space<semaphore_mem>>)
    %scan3A_41 = arith.constant 0 : i32
    %scan3A_42 = arith.constant 128 : i32
    %scan3A_43 = arith.addi %scan3A_41, %scan3A_42 : i32
    %scan3A_44 = arith.constant 1 : i32
    scf.for %scan3A_53 = %scan3A_41 to %scan3A_43 step %scan3A_44  : i32 {
      %mul3A_54 = arith.constant 1 : i32
      %mul3A_55 = arith.muli %scan3A_53, %mul3A_54 : i32
      %add3A_56 = arith.constant 0 : i32
      %add3A_57 = arith.addi %add3A_56, %mul3A_55 : i32
      %broadcast_in_dim3A = arith.constant 0.000000e+00 : f32
      %broadcast_in_dim3A_58 = vector.broadcast %broadcast_in_dim3A : f32 to vector<16xf32>
      %swap3A = arith.index_cast %add3A_57 : i32 to index
      %swap3A_59 = arith.constant 0 : index
      %swap3A_60 = tpu.vector_load %arg8[%swap3A, %swap3A_59] {strides = array<i32>} : memref<128x32xf32, #tpu.memory_space<vmem>>, vector<16xf32>,
      tpu.vector_store %arg8[%swap3A, %swap3A_59], %broadcast_in_dim3A_58 {strides = array<i32>} : memref<128x32xf32, #tpu.memory_space<vmem>>, vector<16xf32>,
      %broadcast_in_dim3A_61 = arith.constant 0.000000e+00 : f32
      %broadcast_in_dim3A_62 = vector.broadcast %broadcast_in_dim3A_61 : f32 to vector<16xf32>
      %swap3A_63 = arith.index_cast %add3A_57 : i32 to index
      %swap3A_64 = arith.constant 16 : index
      %swap3A_65 = tpu.vector_load %arg8[%swap3A_63, %swap3A_64] {strides = array<i32>} : memref<128x32xf32, #tpu.memory_space<vmem>>, vector<16xf32>,
      tpu.vector_store %arg8[%swap3A_63, %swap3A_64], %broadcast_in_dim3A_62 {strides = array<i32>} : memref<128x32xf32, #tpu.memory_space<vmem>>, vector<16xf32>,
    }
    %scan3A_45 = arith.constant 128 : i32
    %scan3A_46 = arith.constant 0 : i32
    %scan3A_47 = arith.constant 10 : i32
    %scan3A_48 = arith.addi %scan3A_46, %scan3A_47 : i32
    %scan3A_49 = arith.constant 1 : i32
    scf.for %scan3A_53 = %scan3A_46 to %scan3A_48 step %scan3A_49  : i32 {
      %mul3A_54 = arith.constant 5 : i32
      %mul3A_55 = arith.muli %scan3A_53, %mul3A_54 : i32
      %add3A_56 = arith.constant 0 : i32
      %add3A_57 = arith.addi %add3A_56, %mul3A_55 : i32
      %add3A_58 = arith.constant 0 : i32
      %add3A_59 = arith.addi %add3A_57, %add3A_58 : i32
      %dma_wait3A = arith.constant 0 : i32
      %dma_wait3A_60 = tpu.memref_slice %arg7[%add3A_59, %dma_wait3A] : memref<50x128xi32, #tpu.memory_space<vmem>> -> memref<1x128xi32, #tpu.memory_space<vmem>>
      %dma_wait3A_61 = tpu.memref_squeeze %dma_wait3A_60 : memref<1x128xi32, #tpu.memory_space<vmem>> -> memref<128xi32, #tpu.memory_space<vmem>>
      %dma_wait3A_62 = arith.constant 0 : i32
      %dma_wait3A_63 = arith.constant 0 : i32
      %dma_wait3A_64 = tpu.memref_slice %arg3[%dma_wait3A_62, %dma_wait3A_63] : memref<1000000x32xf32, #tpu.memory_space<hbm>> -> memref<1000000x32xf32, #tpu.memory_space<hbm>>
      tpu.wait_indirect_dma semaphore(%arg15 : memref<!tpu.dma_semaphore, #tpu.memory_space<semaphore_mem>>) src(%dma_wait3A_64 : memref<1000000x32xf32, #tpu.memory_space<hbm>>) dst(%arg10 : memref<128x32xf32, #tpu.memory_space<vmem>>)
      %get3A = arith.index_cast %add3A_59 : i32 to index
      %get3A_65 = arith.constant 0 : index
      %get3A_66 = tpu.vector_load %arg9[%get3A, %get3A_65] {strides = array<i32>} : memref<50x32xf32, #tpu.memory_space<vmem>>, vector<16xf32>,
      %get3A_67 = arith.index_cast %add3A_59 : i32 to index
      %get3A_68 = arith.constant 16 : index
      %get3A_69 = tpu.vector_load %arg9[%get3A_67, %get3A_68] {strides = array<i32>} : memref<50x32xf32, #tpu.memory_space<vmem>>, vector<16xf32>,
      %scan3A_70 = arith.constant 0 : i32
      %scan3A_71 = arith.constant 32 : i32
      %scan3A_72 = arith.addi %scan3A_70, %scan3A_71 : i32
      %scan3A_73 = arith.constant 1 : i32
      scf.for %scan3A_183 = %scan3A_70 to %scan3A_72 step %scan3A_73  : i32 {
        %mul3A_184 = arith.constant 4 : i32
        %mul3A_185 = arith.muli %scan3A_183, %mul3A_184 : i32
        %add3A_186 = arith.constant 0 : i32
        %add3A_187 = arith.addi %add3A_186, %mul3A_185 : i32
        %add3A_188 = arith.constant 0 : i32
        %add3A_189 = arith.addi %add3A_187, %add3A_188 : i32
        %get3A_190 = arith.index_cast %add3A_189 : i32 to index
        %get3A_191 = arith.constant 0 : index
        %get3A_192 = tpu.vector_load %arg10[%get3A_190, %get3A_191] {strides = array<i32>} : memref<128x32xf32, #tpu.memory_space<vmem>>, vector<16xf32>,
        %add3A_193 = arith.constant 0 : i32
        %add3A_194 = arith.addi %add3A_187, %add3A_193 : i32
        %get3A_195 = arith.index_cast %add3A_194 : i32 to index
        %get3A_196 = arith.constant 16 : index
        %get3A_197 = tpu.vector_load %arg10[%get3A_195, %get3A_196] {strides = array<i32>} : memref<128x32xf32, #tpu.memory_space<vmem>>, vector<16xf32>,
        %add3A_198 = arith.constant 0 : i32
        %add3A_199 = arith.addi %add3A_187, %add3A_198 : i32
        %mul3A_200 = arith.mulf %get3A_192, %get3A_66 : vector<16xf32>
        %swap3A = arith.index_cast %add3A_199 : i32 to index
        %swap3A_201 = arith.constant 0 : index
        %swap3A_202 = tpu.vector_load %arg8[%swap3A, %swap3A_201] {strides = array<i32>} : memref<128x32xf32, #tpu.memory_space<vmem>>, vector<16xf32>,
        tpu.vector_store %arg8[%swap3A, %swap3A_201], %mul3A_200 {add = true, strides = array<i32>} : memref<128x32xf32, #tpu.memory_space<vmem>>, vector<16xf32>,
        %add3A_203 = arith.constant 0 : i32
        %add3A_204 = arith.addi %add3A_187, %add3A_203 : i32
        %mul3A_205 = arith.mulf %get3A_197, %get3A_69 : vector<16xf32>
        %swap3A_206 = arith.index_cast %add3A_204 : i32 to index
        %swap3A_207 = arith.constant 16 : index
        %swap3A_208 = tpu.vector_load %arg8[%swap3A_206, %swap3A_207] {strides = array<i32>} : memref<128x32xf32, #tpu.memory_space<vmem>>, vector<16xf32>,
        tpu.vector_store %arg8[%swap3A_206, %swap3A_207], %mul3A_205 {add = true, strides = array<i32>} : memref<128x32xf32, #tpu.memory_space<vmem>>, vector<16xf32>,
        %add3A_209 = arith.constant 1 : i32
        %add3A_210 = arith.addi %add3A_187, %add3A_209 : i32
        %get3A_211 = arith.index_cast %add3A_210 : i32 to index
        %get3A_212 = arith.constant 0 : index
        %get3A_213 = tpu.vector_load %arg10[%get3A_211, %get3A_212] {strides = array<i32>} : memref<128x32xf32, #tpu.memory_space<vmem>>, vector<16xf32>,
        %add3A_214 = arith.constant 1 : i32
        %add3A_215 = arith.addi %add3A_187, %add3A_214 : i32
        %get3A_216 = arith.index_cast %add3A_215 : i32 to index
        %get3A_217 = arith.constant 16 : index
        %get3A_218 = tpu.vector_load %arg10[%get3A_216, %get3A_217] {strides = array<i32>} : memref<128x32xf32, #tpu.memory_space<vmem>>, vector<16xf32>,
        %add3A_219 = arith.constant 1 : i32
        %add3A_220 = arith.addi %add3A_187, %add3A_219 : i32
        %mul3A_221 = arith.mulf %get3A_213, %get3A_66 : vector<16xf32>
        %swap3A_222 = arith.index_cast %add3A_220 : i32 to index
        %swap3A_223 = arith.constant 0 : index
        %swap3A_224 = tpu.vector_load %arg8[%swap3A_222, %swap3A_223] {strides = array<i32>} : memref<128x32xf32, #tpu.memory_space<vmem>>, vector<16xf32>,
        tpu.vector_store %arg8[%swap3A_222, %swap3A_223], %mul3A_221 {add = true, strides = array<i32>} : memref<128x32xf32, #tpu.memory_space<vmem>>, vector<16xf32>,
        %add3A_225 = arith.constant 1 : i32
        %add3A_226 = arith.addi %add3A_187, %add3A_225 : i32
        %mul3A_227 = arith.mulf %get3A_218, %get3A_69 : vector<16xf32>
        %swap3A_228 = arith.index_cast %add3A_226 : i32 to index
        %swap3A_229 = arith.constant 16 : index
        %swap3A_230 = tpu.vector_load %arg8[%swap3A_228, %swap3A_229] {strides = array<i32>} : memref<128x32xf32, #tpu.memory_space<vmem>>, vector<16xf32>,
        tpu.vector_store %arg8[%swap3A_228, %swap3A_229], %mul3A_227 {add = true, strides = array<i32>} : memref<128x32xf32, #tpu.memory_space<vmem>>, vector<16xf32>,
        %add3A_231 = arith.constant 2 : i32
        %add3A_232 = arith.addi %add3A_187, %add3A_231 : i32
        %get3A_233 = arith.index_cast %add3A_232 : i32 to index
        %get3A_234 = arith.constant 0 : index
        %get3A_235 = tpu.vector_load %arg10[%get3A_233, %get3A_234] {strides = array<i32>} : memref<128x32xf32, #tpu.memory_space<vmem>>, vector<16xf32>,
        %add3A_236 = arith.constant 2 : i32
        %add3A_237 = arith.addi %add3A_187, %add3A_236 : i32
        %get3A_238 = arith.index_cast %add3A_237 : i32 to index
        %get3A_239 = arith.constant 16 : index
        %get3A_240 = tpu.vector_load %arg10[%get3A_238, %get3A_239] {strides = array<i32>} : memref<128x32xf32, #tpu.memory_space<vmem>>, vector<16xf32>,
        %add3A_241 = arith.constant 2 : i32
        %add3A_242 = arith.addi %add3A_187, %add3A_241 : i32
        %mul3A_243 = arith.mulf %get3A_235, %get3A_66 : vector<16xf32>
        %swap3A_244 = arith.index_cast %add3A_242 : i32 to index
        %swap3A_245 = arith.constant 0 : index
        %swap3A_246 = tpu.vector_load %arg8[%swap3A_244, %swap3A_245] {strides = array<i32>} : memref<128x32xf32, #tpu.memory_space<vmem>>, vector<16xf32>,
        tpu.vector_store %arg8[%swap3A_244, %swap3A_245], %mul3A_243 {add = true, strides = array<i32>} : memref<128x32xf32, #tpu.memory_space<vmem>>, vector<16xf32>,
        %add3A_247 = arith.constant 2 : i32
        %add3A_248 = arith.addi %add3A_187, %add3A_247 : i32
        %mul3A_249 = arith.mulf %get3A_240, %get3A_69 : vector<16xf32>
        %swap3A_250 = arith.index_cast %add3A_248 : i32 to index
        %swap3A_251 = arith.constant 16 : index
        %swap3A_252 = tpu.vector_load %arg8[%swap3A_250, %swap3A_251] {strides = array<i32>} : memref<128x32xf32, #tpu.memory_space<vmem>>, vector<16xf32>,
        tpu.vector_store %arg8[%swap3A_250, %swap3A_251], %mul3A_249 {add = true, strides = array<i32>} : memref<128x32xf32, #tpu.memory_space<vmem>>, vector<16xf32>,
        %add3A_253 = arith.constant 3 : i32
        %add3A_254 = arith.addi %add3A_187, %add3A_253 : i32
        %get3A_255 = arith.index_cast %add3A_254 : i32 to index
        %get3A_256 = arith.constant 0 : index
        %get3A_257 = tpu.vector_load %arg10[%get3A_255, %get3A_256] {strides = array<i32>} : memref<128x32xf32, #tpu.memory_space<vmem>>, vector<16xf32>,
        %add3A_258 = arith.constant 3 : i32
        %add3A_259 = arith.addi %add3A_187, %add3A_258 : i32
        %get3A_260 = arith.index_cast %add3A_259 : i32 to index
        %get3A_261 = arith.constant 16 : index
        %get3A_262 = tpu.vector_load %arg10[%get3A_260, %get3A_261] {strides = array<i32>} : memref<128x32xf32, #tpu.memory_space<vmem>>, vector<16xf32>,
        %add3A_263 = arith.constant 3 : i32
        %add3A_264 = arith.addi %add3A_187, %add3A_263 : i32
        %mul3A_265 = arith.mulf %get3A_257, %get3A_66 : vector<16xf32>
        %swap3A_266 = arith.index_cast %add3A_264 : i32 to index
        %swap3A_267 = arith.constant 0 : index
        %swap3A_268 = tpu.vector_load %arg8[%swap3A_266, %swap3A_267] {strides = array<i32>} : memref<128x32xf32, #tpu.memory_space<vmem>>, vector<16xf32>,
        tpu.vector_store %arg8[%swap3A_266, %swap3A_267], %mul3A_265 {add = true, strides = array<i32>} : memref<128x32xf32, #tpu.memory_space<vmem>>, vector<16xf32>,
        %add3A_269 = arith.constant 3 : i32
        %add3A_270 = arith.addi %add3A_187, %add3A_269 : i32
        %mul3A_271 = arith.mulf %get3A_262, %get3A_69 : vector<16xf32>
        %swap3A_272 = arith.index_cast %add3A_270 : i32 to index
        %swap3A_273 = arith.constant 16 : index
        %swap3A_274 = tpu.vector_load %arg8[%swap3A_272, %swap3A_273] {strides = array<i32>} : memref<128x32xf32, #tpu.memory_space<vmem>>, vector<16xf32>,
        tpu.vector_store %arg8[%swap3A_272, %swap3A_273], %mul3A_271 {add = true, strides = array<i32>} : memref<128x32xf32, #tpu.memory_space<vmem>>, vector<16xf32>,
      }
      %scan3A_74 = arith.constant 32 : i32
      %add3A_75 = arith.constant 5 : i32
      %add3A_76 = arith.addi %add3A_59, %add3A_75 : i32
      %lt3A = arith.constant 50 : i32
      %lt3A_77 = arith.cmpi slt, %add3A_76, %lt3A : i32
      %convert_element_type3A = arith.extui %lt3A_77 : i1 to i32
      %cond3A = arith.constant 0 : i32
      %cond3A_78 = arith.cmpi ne, %convert_element_type3A, %cond3A : i32
      scf.if %cond3A_78 {
        %add3A_183 = arith.constant 5 : i32
        %add3A_184 = arith.addi %add3A_59, %add3A_183 : i32
        %dma_start3A_185 = arith.constant 0 : i32
        %dma_start3A_186 = tpu.memref_slice %arg7[%add3A_184, %dma_start3A_185] : memref<50x128xi32, #tpu.memory_space<vmem>> -> memref<1x128xi32, #tpu.memory_space<vmem>>
        %dma_start3A_187 = tpu.memref_squeeze %dma_start3A_186 : memref<1x128xi32, #tpu.memory_space<vmem>> -> memref<128xi32, #tpu.memory_space<vmem>>
        %dma_start3A_188 = arith.constant 0 : i32
        %dma_start3A_189 = arith.constant 0 : i32
        %dma_start3A_190 = tpu.memref_slice %arg3[%dma_start3A_188, %dma_start3A_189] : memref<1000000x32xf32, #tpu.memory_space<hbm>> -> memref<1000000x32xf32, #tpu.memory_space<hbm>>
        tpu.enqueue_indirect_dma source(%dma_start3A_190 : memref<1000000x32xf32, #tpu.memory_space<hbm>>) target(%arg10 : memref<128x32xf32, #tpu.memory_space<vmem>>) offsets(%dma_start3A_187 : memref<128xi32, #tpu.memory_space<vmem>>) semaphore(%arg15 : memref<!tpu.dma_semaphore, #tpu.memory_space<semaphore_mem>>)
      } else {
      }
      %add3A_79 = arith.constant 1 : i32
      %add3A_80 = arith.addi %add3A_57, %add3A_79 : i32
      %dma_wait3A_81 = arith.constant 0 : i32
      %dma_wait3A_82 = tpu.memref_slice %arg7[%add3A_80, %dma_wait3A_81] : memref<50x128xi32, #tpu.memory_space<vmem>> -> memref<1x128xi32, #tpu.memory_space<vmem>>
      %dma_wait3A_83 = tpu.memref_squeeze %dma_wait3A_82 : memref<1x128xi32, #tpu.memory_space<vmem>> -> memref<128xi32, #tpu.memory_space<vmem>>
      %dma_wait3A_84 = arith.constant 0 : i32
      %dma_wait3A_85 = arith.constant 0 : i32
      %dma_wait3A_86 = tpu.memref_slice %arg3[%dma_wait3A_84, %dma_wait3A_85] : memref<1000000x32xf32, #tpu.memory_space<hbm>> -> memref<1000000x32xf32, #tpu.memory_space<hbm>>
      tpu.wait_indirect_dma semaphore(%arg16 : memref<!tpu.dma_semaphore, #tpu.memory_space<semaphore_mem>>) src(%dma_wait3A_86 : memref<1000000x32xf32, #tpu.memory_space<hbm>>) dst(%arg11 : memref<128x32xf32, #tpu.memory_space<vmem>>)
      %get3A_87 = arith.index_cast %add3A_80 : i32 to index
      %get3A_88 = arith.constant 0 : index
      %get3A_89 = tpu.vector_load %arg9[%get3A_87, %get3A_88] {strides = array<i32>} : memref<50x32xf32, #tpu.memory_space<vmem>>, vector<16xf32>,
      %get3A_90 = arith.index_cast %add3A_80 : i32 to index
      %get3A_91 = arith.constant 16 : index
      %get3A_92 = tpu.vector_load %arg9[%get3A_90, %get3A_91] {strides = array<i32>} : memref<50x32xf32, #tpu.memory_space<vmem>>, vector<16xf32>,
      %scan3A_93 = arith.constant 0 : i32
      %scan3A_94 = arith.constant 32 : i32
      %scan3A_95 = arith.addi %scan3A_93, %scan3A_94 : i32
      %scan3A_96 = arith.constant 1 : i32
      scf.for %scan3A_183 = %scan3A_93 to %scan3A_95 step %scan3A_96  : i32 {
        %mul3A_184 = arith.constant 4 : i32
        %mul3A_185 = arith.muli %scan3A_183, %mul3A_184 : i32
        %add3A_186 = arith.constant 0 : i32
        %add3A_187 = arith.addi %add3A_186, %mul3A_185 : i32
        %add3A_188 = arith.constant 0 : i32
        %add3A_189 = arith.addi %add3A_187, %add3A_188 : i32
        %get3A_190 = arith.index_cast %add3A_189 : i32 to index
        %get3A_191 = arith.constant 0 : index
        %get3A_192 = tpu.vector_load %arg11[%get3A_190, %get3A_191] {strides = array<i32>} : memref<128x32xf32, #tpu.memory_space<vmem>>, vector<16xf32>,
        %add3A_193 = arith.constant 0 : i32
        %add3A_194 = arith.addi %add3A_187, %add3A_193 : i32
        %get3A_195 = arith.index_cast %add3A_194 : i32 to index
        %get3A_196 = arith.constant 16 : index
        %get3A_197 = tpu.vector_load %arg11[%get3A_195, %get3A_196] {strides = array<i32>} : memref<128x32xf32, #tpu.memory_space<vmem>>, vector<16xf32>,
        %add3A_198 = arith.constant 0 : i32
        %add3A_199 = arith.addi %add3A_187, %add3A_198 : i32
        %mul3A_200 = arith.mulf %get3A_192, %get3A_89 : vector<16xf32>
        %swap3A = arith.index_cast %add3A_199 : i32 to index
        %swap3A_201 = arith.constant 0 : index
        %swap3A_202 = tpu.vector_load %arg8[%swap3A, %swap3A_201] {strides = array<i32>} : memref<128x32xf32, #tpu.memory_space<vmem>>, vector<16xf32>,
        tpu.vector_store %arg8[%swap3A, %swap3A_201], %mul3A_200 {add = true, strides = array<i32>} : memref<128x32xf32, #tpu.memory_space<vmem>>, vector<16xf32>,
        %add3A_203 = arith.constant 0 : i32
        %add3A_204 = arith.addi %add3A_187, %add3A_203 : i32
        %mul3A_205 = arith.mulf %get3A_197, %get3A_92 : vector<16xf32>
        %swap3A_206 = arith.index_cast %add3A_204 : i32 to index
        %swap3A_207 = arith.constant 16 : index
        %swap3A_208 = tpu.vector_load %arg8[%swap3A_206, %swap3A_207] {strides = array<i32>} : memref<128x32xf32, #tpu.memory_space<vmem>>, vector<16xf32>,
        tpu.vector_store %arg8[%swap3A_206, %swap3A_207], %mul3A_205 {add = true, strides = array<i32>} : memref<128x32xf32, #tpu.memory_space<vmem>>, vector<16xf32>,
        %add3A_209 = arith.constant 1 : i32
        %add3A_210 = arith.addi %add3A_187, %add3A_209 : i32
        %get3A_211 = arith.index_cast %add3A_210 : i32 to index
        %get3A_212 = arith.constant 0 : index
        %get3A_213 = tpu.vector_load %arg11[%get3A_211, %get3A_212] {strides = array<i32>} : memref<128x32xf32, #tpu.memory_space<vmem>>, vector<16xf32>,
        %add3A_214 = arith.constant 1 : i32
        %add3A_215 = arith.addi %add3A_187, %add3A_214 : i32
        %get3A_216 = arith.index_cast %add3A_215 : i32 to index
        %get3A_217 = arith.constant 16 : index
        %get3A_218 = tpu.vector_load %arg11[%get3A_216, %get3A_217] {strides = array<i32>} : memref<128x32xf32, #tpu.memory_space<vmem>>, vector<16xf32>,
        %add3A_219 = arith.constant 1 : i32
        %add3A_220 = arith.addi %add3A_187, %add3A_219 : i32
        %mul3A_221 = arith.mulf %get3A_213, %get3A_89 : vector<16xf32>
        %swap3A_222 = arith.index_cast %add3A_220 : i32 to index
        %swap3A_223 = arith.constant 0 : index
        %swap3A_224 = tpu.vector_load %arg8[%swap3A_222, %swap3A_223] {strides = array<i32>} : memref<128x32xf32, #tpu.memory_space<vmem>>, vector<16xf32>,
        tpu.vector_store %arg8[%swap3A_222, %swap3A_223], %mul3A_221 {add = true, strides = array<i32>} : memref<128x32xf32, #tpu.memory_space<vmem>>, vector<16xf32>,
        %add3A_225 = arith.constant 1 : i32
        %add3A_226 = arith.addi %add3A_187, %add3A_225 : i32
        %mul3A_227 = arith.mulf %get3A_218, %get3A_92 : vector<16xf32>
        %swap3A_228 = arith.index_cast %add3A_226 : i32 to index
        %swap3A_229 = arith.constant 16 : index
        %swap3A_230 = tpu.vector_load %arg8[%swap3A_228, %swap3A_229] {strides = array<i32>} : memref<128x32xf32, #tpu.memory_space<vmem>>, vector<16xf32>,
        tpu.vector_store %arg8[%swap3A_228, %swap3A_229], %mul3A_227 {add = true, strides = array<i32>} : memref<128x32xf32, #tpu.memory_space<vmem>>, vector<16xf32>,
        %add3A_231 = arith.constant 2 : i32
        %add3A_232 = arith.addi %add3A_187, %add3A_231 : i32
        %get3A_233 = arith.index_cast %add3A_232 : i32 to index
        %get3A_234 = arith.constant 0 : index
        %get3A_235 = tpu.vector_load %arg11[%get3A_233, %get3A_234] {strides = array<i32>} : memref<128x32xf32, #tpu.memory_space<vmem>>, vector<16xf32>,
        %add3A_236 = arith.constant 2 : i32
        %add3A_237 = arith.addi %add3A_187, %add3A_236 : i32
        %get3A_238 = arith.index_cast %add3A_237 : i32 to index
        %get3A_239 = arith.constant 16 : index
        %get3A_240 = tpu.vector_load %arg11[%get3A_238, %get3A_239] {strides = array<i32>} : memref<128x32xf32, #tpu.memory_space<vmem>>, vector<16xf32>,
        %add3A_241 = arith.constant 2 : i32
        %add3A_242 = arith.addi %add3A_187, %add3A_241 : i32
        %mul3A_243 = arith.mulf %get3A_235, %get3A_89 : vector<16xf32>
        %swap3A_244 = arith.index_cast %add3A_242 : i32 to index
        %swap3A_245 = arith.constant 0 : index
        %swap3A_246 = tpu.vector_load %arg8[%swap3A_244, %swap3A_245] {strides = array<i32>} : memref<128x32xf32, #tpu.memory_space<vmem>>, vector<16xf32>,
        tpu.vector_store %arg8[%swap3A_244, %swap3A_245], %mul3A_243 {add = true, strides = array<i32>} : memref<128x32xf32, #tpu.memory_space<vmem>>, vector<16xf32>,
        %add3A_247 = arith.constant 2 : i32
        %add3A_248 = arith.addi %add3A_187, %add3A_247 : i32
        %mul3A_249 = arith.mulf %get3A_240, %get3A_92 : vector<16xf32>
        %swap3A_250 = arith.index_cast %add3A_248 : i32 to index
        %swap3A_251 = arith.constant 16 : index
        %swap3A_252 = tpu.vector_load %arg8[%swap3A_250, %swap3A_251] {strides = array<i32>} : memref<128x32xf32, #tpu.memory_space<vmem>>, vector<16xf32>,
        tpu.vector_store %arg8[%swap3A_250, %swap3A_251], %mul3A_249 {add = true, strides = array<i32>} : memref<128x32xf32, #tpu.memory_space<vmem>>, vector<16xf32>,
        %add3A_253 = arith.constant 3 : i32
        %add3A_254 = arith.addi %add3A_187, %add3A_253 : i32
        %get3A_255 = arith.index_cast %add3A_254 : i32 to index
        %get3A_256 = arith.constant 0 : index
        %get3A_257 = tpu.vector_load %arg11[%get3A_255, %get3A_256] {strides = array<i32>} : memref<128x32xf32, #tpu.memory_space<vmem>>, vector<16xf32>,
        %add3A_258 = arith.constant 3 : i32
        %add3A_259 = arith.addi %add3A_187, %add3A_258 : i32
        %get3A_260 = arith.index_cast %add3A_259 : i32 to index
        %get3A_261 = arith.constant 16 : index
        %get3A_262 = tpu.vector_load %arg11[%get3A_260, %get3A_261] {strides = array<i32>} : memref<128x32xf32, #tpu.memory_space<vmem>>, vector<16xf32>,
        %add3A_263 = arith.constant 3 : i32
        %add3A_264 = arith.addi %add3A_187, %add3A_263 : i32
        %mul3A_265 = arith.mulf %get3A_257, %get3A_89 : vector<16xf32>
        %swap3A_266 = arith.index_cast %add3A_264 : i32 to index
        %swap3A_267 = arith.constant 0 : index
        %swap3A_268 = tpu.vector_load %arg8[%swap3A_266, %swap3A_267] {strides = array<i32>} : memref<128x32xf32, #tpu.memory_space<vmem>>, vector<16xf32>,
        tpu.vector_store %arg8[%swap3A_266, %swap3A_267], %mul3A_265 {add = true, strides = array<i32>} : memref<128x32xf32, #tpu.memory_space<vmem>>, vector<16xf32>,
        %add3A_269 = arith.constant 3 : i32
        %add3A_270 = arith.addi %add3A_187, %add3A_269 : i32
        %mul3A_271 = arith.mulf %get3A_262, %get3A_92 : vector<16xf32>
        %swap3A_272 = arith.index_cast %add3A_270 : i32 to index
        %swap3A_273 = arith.constant 16 : index
        %swap3A_274 = tpu.vector_load %arg8[%swap3A_272, %swap3A_273] {strides = array<i32>} : memref<128x32xf32, #tpu.memory_space<vmem>>, vector<16xf32>,
        tpu.vector_store %arg8[%swap3A_272, %swap3A_273], %mul3A_271 {add = true, strides = array<i32>} : memref<128x32xf32, #tpu.memory_space<vmem>>, vector<16xf32>,
      }
      %scan3A_97 = arith.constant 32 : i32
      %add3A_98 = arith.constant 5 : i32
      %add3A_99 = arith.addi %add3A_80, %add3A_98 : i32
      %lt3A_100 = arith.constant 50 : i32
      %lt3A_101 = arith.cmpi slt, %add3A_99, %lt3A_100 : i32
      %convert_element_type3A_102 = arith.extui %lt3A_101 : i1 to i32
      %cond3A_103 = arith.constant 0 : i32
      %cond3A_104 = arith.cmpi ne, %convert_element_type3A_102, %cond3A_103 : i32
      scf.if %cond3A_104 {
        %add3A_183 = arith.constant 5 : i32
        %add3A_184 = arith.addi %add3A_80, %add3A_183 : i32
        %dma_start3A_185 = arith.constant 0 : i32
        %dma_start3A_186 = tpu.memref_slice %arg7[%add3A_184, %dma_start3A_185] : memref<50x128xi32, #tpu.memory_space<vmem>> -> memref<1x128xi32, #tpu.memory_space<vmem>>
        %dma_start3A_187 = tpu.memref_squeeze %dma_start3A_186 : memref<1x128xi32, #tpu.memory_space<vmem>> -> memref<128xi32, #tpu.memory_space<vmem>>
        %dma_start3A_188 = arith.constant 0 : i32
        %dma_start3A_189 = arith.constant 0 : i32
        %dma_start3A_190 = tpu.memref_slice %arg3[%dma_start3A_188, %dma_start3A_189] : memref<1000000x32xf32, #tpu.memory_space<hbm>> -> memref<1000000x32xf32, #tpu.memory_space<hbm>>
        tpu.enqueue_indirect_dma source(%dma_start3A_190 : memref<1000000x32xf32, #tpu.memory_space<hbm>>) target(%arg11 : memref<128x32xf32, #tpu.memory_space<vmem>>) offsets(%dma_start3A_187 : memref<128xi32, #tpu.memory_space<vmem>>) semaphore(%arg16 : memref<!tpu.dma_semaphore, #tpu.memory_space<semaphore_mem>>)
      } else {
      }
      %add3A_105 = arith.constant 2 : i32
      %add3A_106 = arith.addi %add3A_57, %add3A_105 : i32
      %dma_wait3A_107 = arith.constant 0 : i32
      %dma_wait3A_108 = tpu.memref_slice %arg7[%add3A_106, %dma_wait3A_107] : memref<50x128xi32, #tpu.memory_space<vmem>> -> memref<1x128xi32, #tpu.memory_space<vmem>>
      %dma_wait3A_109 = tpu.memref_squeeze %dma_wait3A_108 : memref<1x128xi32, #tpu.memory_space<vmem>> -> memref<128xi32, #tpu.memory_space<vmem>>
      %dma_wait3A_110 = arith.constant 0 : i32
      %dma_wait3A_111 = arith.constant 0 : i32
      %dma_wait3A_112 = tpu.memref_slice %arg3[%dma_wait3A_110, %dma_wait3A_111] : memref<1000000x32xf32, #tpu.memory_space<hbm>> -> memref<1000000x32xf32, #tpu.memory_space<hbm>>
      tpu.wait_indirect_dma semaphore(%arg17 : memref<!tpu.dma_semaphore, #tpu.memory_space<semaphore_mem>>) src(%dma_wait3A_112 : memref<1000000x32xf32, #tpu.memory_space<hbm>>) dst(%arg12 : memref<128x32xf32, #tpu.memory_space<vmem>>)
      %get3A_113 = arith.index_cast %add3A_106 : i32 to index
      %get3A_114 = arith.constant 0 : index
      %get3A_115 = tpu.vector_load %arg9[%get3A_113, %get3A_114] {strides = array<i32>} : memref<50x32xf32, #tpu.memory_space<vmem>>, vector<16xf32>,
      %get3A_116 = arith.index_cast %add3A_106 : i32 to index
      %get3A_117 = arith.constant 16 : index
      %get3A_118 = tpu.vector_load %arg9[%get3A_116, %get3A_117] {strides = array<i32>} : memref<50x32xf32, #tpu.memory_space<vmem>>, vector<16xf32>,
      %scan3A_119 = arith.constant 0 : i32
      %scan3A_120 = arith.constant 32 : i32
      %scan3A_121 = arith.addi %scan3A_119, %scan3A_120 : i32
      %scan3A_122 = arith.constant 1 : i32
      scf.for %scan3A_183 = %scan3A_119 to %scan3A_121 step %scan3A_122  : i32 {
        %mul3A_184 = arith.constant 4 : i32
        %mul3A_185 = arith.muli %scan3A_183, %mul3A_184 : i32
        %add3A_186 = arith.constant 0 : i32
        %add3A_187 = arith.addi %add3A_186, %mul3A_185 : i32
        %add3A_188 = arith.constant 0 : i32
        %add3A_189 = arith.addi %add3A_187, %add3A_188 : i32
        %get3A_190 = arith.index_cast %add3A_189 : i32 to index
        %get3A_191 = arith.constant 0 : index
        %get3A_192 = tpu.vector_load %arg12[%get3A_190, %get3A_191] {strides = array<i32>} : memref<128x32xf32, #tpu.memory_space<vmem>>, vector<16xf32>,
        %add3A_193 = arith.constant 0 : i32
        %add3A_194 = arith.addi %add3A_187, %add3A_193 : i32
        %get3A_195 = arith.index_cast %add3A_194 : i32 to index
        %get3A_196 = arith.constant 16 : index
        %get3A_197 = tpu.vector_load %arg12[%get3A_195, %get3A_196] {strides = array<i32>} : memref<128x32xf32, #tpu.memory_space<vmem>>, vector<16xf32>,
        %add3A_198 = arith.constant 0 : i32
        %add3A_199 = arith.addi %add3A_187, %add3A_198 : i32
        %mul3A_200 = arith.mulf %get3A_192, %get3A_115 : vector<16xf32>
        %swap3A = arith.index_cast %add3A_199 : i32 to index
        %swap3A_201 = arith.constant 0 : index
        %swap3A_202 = tpu.vector_load %arg8[%swap3A, %swap3A_201] {strides = array<i32>} : memref<128x32xf32, #tpu.memory_space<vmem>>, vector<16xf32>,
        tpu.vector_store %arg8[%swap3A, %swap3A_201], %mul3A_200 {add = true, strides = array<i32>} : memref<128x32xf32, #tpu.memory_space<vmem>>, vector<16xf32>,
        %add3A_203 = arith.constant 0 : i32
        %add3A_204 = arith.addi %add3A_187, %add3A_203 : i32
        %mul3A_205 = arith.mulf %get3A_197, %get3A_118 : vector<16xf32>
        %swap3A_206 = arith.index_cast %add3A_204 : i32 to index
        %swap3A_207 = arith.constant 16 : index
        %swap3A_208 = tpu.vector_load %arg8[%swap3A_206, %swap3A_207] {strides = array<i32>} : memref<128x32xf32, #tpu.memory_space<vmem>>, vector<16xf32>,
        tpu.vector_store %arg8[%swap3A_206, %swap3A_207], %mul3A_205 {add = true, strides = array<i32>} : memref<128x32xf32, #tpu.memory_space<vmem>>, vector<16xf32>,
        %add3A_209 = arith.constant 1 : i32
        %add3A_210 = arith.addi %add3A_187, %add3A_209 : i32
        %get3A_211 = arith.index_cast %add3A_210 : i32 to index
        %get3A_212 = arith.constant 0 : index
        %get3A_213 = tpu.vector_load %arg12[%get3A_211, %get3A_212] {strides = array<i32>} : memref<128x32xf32, #tpu.memory_space<vmem>>, vector<16xf32>,
        %add3A_214 = arith.constant 1 : i32
        %add3A_215 = arith.addi %add3A_187, %add3A_214 : i32
        %get3A_216 = arith.index_cast %add3A_215 : i32 to index
        %get3A_217 = arith.constant 16 : index
        %get3A_218 = tpu.vector_load %arg12[%get3A_216, %get3A_217] {strides = array<i32>} : memref<128x32xf32, #tpu.memory_space<vmem>>, vector<16xf32>,
        %add3A_219 = arith.constant 1 : i32
        %add3A_220 = arith.addi %add3A_187, %add3A_219 : i32
        %mul3A_221 = arith.mulf %get3A_213, %get3A_115 : vector<16xf32>
        %swap3A_222 = arith.index_cast %add3A_220 : i32 to index
        %swap3A_223 = arith.constant 0 : index
        %swap3A_224 = tpu.vector_load %arg8[%swap3A_222, %swap3A_223] {strides = array<i32>} : memref<128x32xf32, #tpu.memory_space<vmem>>, vector<16xf32>,
        tpu.vector_store %arg8[%swap3A_222, %swap3A_223], %mul3A_221 {add = true, strides = array<i32>} : memref<128x32xf32, #tpu.memory_space<vmem>>, vector<16xf32>,
        %add3A_225 = arith.constant 1 : i32
        %add3A_226 = arith.addi %add3A_187, %add3A_225 : i32
        %mul3A_227 = arith.mulf %get3A_218, %get3A_118 : vector<16xf32>
        %swap3A_228 = arith.index_cast %add3A_226 : i32 to index
        %swap3A_229 = arith.constant 16 : index
        %swap3A_230 = tpu.vector_load %arg8[%swap3A_228, %swap3A_229] {strides = array<i32>} : memref<128x32xf32, #tpu.memory_space<vmem>>, vector<16xf32>,
        tpu.vector_store %arg8[%swap3A_228, %swap3A_229], %mul3A_227 {add = true, strides = array<i32>} : memref<128x32xf32, #tpu.memory_space<vmem>>, vector<16xf32>,
        %add3A_231 = arith.constant 2 : i32
        %add3A_232 = arith.addi %add3A_187, %add3A_231 : i32
        %get3A_233 = arith.index_cast %add3A_232 : i32 to index
        %get3A_234 = arith.constant 0 : index
        %get3A_235 = tpu.vector_load %arg12[%get3A_233, %get3A_234] {strides = array<i32>} : memref<128x32xf32, #tpu.memory_space<vmem>>, vector<16xf32>,
        %add3A_236 = arith.constant 2 : i32
        %add3A_237 = arith.addi %add3A_187, %add3A_236 : i32
        %get3A_238 = arith.index_cast %add3A_237 : i32 to index
        %get3A_239 = arith.constant 16 : index
        %get3A_240 = tpu.vector_load %arg12[%get3A_238, %get3A_239] {strides = array<i32>} : memref<128x32xf32, #tpu.memory_space<vmem>>, vector<16xf32>,
        %add3A_241 = arith.constant 2 : i32
        %add3A_242 = arith.addi %add3A_187, %add3A_241 : i32
        %mul3A_243 = arith.mulf %get3A_235, %get3A_115 : vector<16xf32>
        %swap3A_244 = arith.index_cast %add3A_242 : i32 to index
        %swap3A_245 = arith.constant 0 : index
        %swap3A_246 = tpu.vector_load %arg8[%swap3A_244, %swap3A_245] {strides = array<i32>} : memref<128x32xf32, #tpu.memory_space<vmem>>, vector<16xf32>,
        tpu.vector_store %arg8[%swap3A_244, %swap3A_245], %mul3A_243 {add = true, strides = array<i32>} : memref<128x32xf32, #tpu.memory_space<vmem>>, vector<16xf32>,
        %add3A_247 = arith.constant 2 : i32
        %add3A_248 = arith.addi %add3A_187, %add3A_247 : i32
        %mul3A_249 = arith.mulf %get3A_240, %get3A_118 : vector<16xf32>
        %swap3A_250 = arith.index_cast %add3A_248 : i32 to index
        %swap3A_251 = arith.constant 16 : index
        %swap3A_252 = tpu.vector_load %arg8[%swap3A_250, %swap3A_251] {strides = array<i32>} : memref<128x32xf32, #tpu.memory_space<vmem>>, vector<16xf32>,
        tpu.vector_store %arg8[%swap3A_250, %swap3A_251], %mul3A_249 {add = true, strides = array<i32>} : memref<128x32xf32, #tpu.memory_space<vmem>>, vector<16xf32>,
        %add3A_253 = arith.constant 3 : i32
        %add3A_254 = arith.addi %add3A_187, %add3A_253 : i32
        %get3A_255 = arith.index_cast %add3A_254 : i32 to index
        %get3A_256 = arith.constant 0 : index
        %get3A_257 = tpu.vector_load %arg12[%get3A_255, %get3A_256] {strides = array<i32>} : memref<128x32xf32, #tpu.memory_space<vmem>>, vector<16xf32>,
        %add3A_258 = arith.constant 3 : i32
        %add3A_259 = arith.addi %add3A_187, %add3A_258 : i32
        %get3A_260 = arith.index_cast %add3A_259 : i32 to index
        %get3A_261 = arith.constant 16 : index
        %get3A_262 = tpu.vector_load %arg12[%get3A_260, %get3A_261] {strides = array<i32>} : memref<128x32xf32, #tpu.memory_space<vmem>>, vector<16xf32>,
        %add3A_263 = arith.constant 3 : i32
        %add3A_264 = arith.addi %add3A_187, %add3A_263 : i32
        %mul3A_265 = arith.mulf %get3A_257, %get3A_115 : vector<16xf32>
        %swap3A_266 = arith.index_cast %add3A_264 : i32 to index
        %swap3A_267 = arith.constant 0 : index
        %swap3A_268 = tpu.vector_load %arg8[%swap3A_266, %swap3A_267] {strides = array<i32>} : memref<128x32xf32, #tpu.memory_space<vmem>>, vector<16xf32>,
        tpu.vector_store %arg8[%swap3A_266, %swap3A_267], %mul3A_265 {add = true, strides = array<i32>} : memref<128x32xf32, #tpu.memory_space<vmem>>, vector<16xf32>,
        %add3A_269 = arith.constant 3 : i32
        %add3A_270 = arith.addi %add3A_187, %add3A_269 : i32
        %mul3A_271 = arith.mulf %get3A_262, %get3A_118 : vector<16xf32>
        %swap3A_272 = arith.index_cast %add3A_270 : i32 to index
        %swap3A_273 = arith.constant 16 : index
        %swap3A_274 = tpu.vector_load %arg8[%swap3A_272, %swap3A_273] {strides = array<i32>} : memref<128x32xf32, #tpu.memory_space<vmem>>, vector<16xf32>,
        tpu.vector_store %arg8[%swap3A_272, %swap3A_273], %mul3A_271 {add = true, strides = array<i32>} : memref<128x32xf32, #tpu.memory_space<vmem>>, vector<16xf32>,
      }
      %scan3A_123 = arith.constant 32 : i32
      %add3A_124 = arith.constant 5 : i32
      %add3A_125 = arith.addi %add3A_106, %add3A_124 : i32
      %lt3A_126 = arith.constant 50 : i32
      %lt3A_127 = arith.cmpi slt, %add3A_125, %lt3A_126 : i32
      %convert_element_type3A_128 = arith.extui %lt3A_127 : i1 to i32
      %cond3A_129 = arith.constant 0 : i32
      %cond3A_130 = arith.cmpi ne, %convert_element_type3A_128, %cond3A_129 : i32
      scf.if %cond3A_130 {
        %add3A_183 = arith.constant 5 : i32
        %add3A_184 = arith.addi %add3A_106, %add3A_183 : i32
        %dma_start3A_185 = arith.constant 0 : i32
        %dma_start3A_186 = tpu.memref_slice %arg7[%add3A_184, %dma_start3A_185] : memref<50x128xi32, #tpu.memory_space<vmem>> -> memref<1x128xi32, #tpu.memory_space<vmem>>
        %dma_start3A_187 = tpu.memref_squeeze %dma_start3A_186 : memref<1x128xi32, #tpu.memory_space<vmem>> -> memref<128xi32, #tpu.memory_space<vmem>>
        %dma_start3A_188 = arith.constant 0 : i32
        %dma_start3A_189 = arith.constant 0 : i32
        %dma_start3A_190 = tpu.memref_slice %arg3[%dma_start3A_188, %dma_start3A_189] : memref<1000000x32xf32, #tpu.memory_space<hbm>> -> memref<1000000x32xf32, #tpu.memory_space<hbm>>
        tpu.enqueue_indirect_dma source(%dma_start3A_190 : memref<1000000x32xf32, #tpu.memory_space<hbm>>) target(%arg12 : memref<128x32xf32, #tpu.memory_space<vmem>>) offsets(%dma_start3A_187 : memref<128xi32, #tpu.memory_space<vmem>>) semaphore(%arg17 : memref<!tpu.dma_semaphore, #tpu.memory_space<semaphore_mem>>)
      } else {
      }
      %add3A_131 = arith.constant 3 : i32
      %add3A_132 = arith.addi %add3A_57, %add3A_131 : i32
      %dma_wait3A_133 = arith.constant 0 : i32
      %dma_wait3A_134 = tpu.memref_slice %arg7[%add3A_132, %dma_wait3A_133] : memref<50x128xi32, #tpu.memory_space<vmem>> -> memref<1x128xi32, #tpu.memory_space<vmem>>
      %dma_wait3A_135 = tpu.memref_squeeze %dma_wait3A_134 : memref<1x128xi32, #tpu.memory_space<vmem>> -> memref<128xi32, #tpu.memory_space<vmem>>
      %dma_wait3A_136 = arith.constant 0 : i32
      %dma_wait3A_137 = arith.constant 0 : i32
      %dma_wait3A_138 = tpu.memref_slice %arg3[%dma_wait3A_136, %dma_wait3A_137] : memref<1000000x32xf32, #tpu.memory_space<hbm>> -> memref<1000000x32xf32, #tpu.memory_space<hbm>>
      tpu.wait_indirect_dma semaphore(%arg18 : memref<!tpu.dma_semaphore, #tpu.memory_space<semaphore_mem>>) src(%dma_wait3A_138 : memref<1000000x32xf32, #tpu.memory_space<hbm>>) dst(%arg13 : memref<128x32xf32, #tpu.memory_space<vmem>>)
      %get3A_139 = arith.index_cast %add3A_132 : i32 to index
      %get3A_140 = arith.constant 0 : index
      %get3A_141 = tpu.vector_load %arg9[%get3A_139, %get3A_140] {strides = array<i32>} : memref<50x32xf32, #tpu.memory_space<vmem>>, vector<16xf32>,
      %get3A_142 = arith.index_cast %add3A_132 : i32 to index
      %get3A_143 = arith.constant 16 : index
      %get3A_144 = tpu.vector_load %arg9[%get3A_142, %get3A_143] {strides = array<i32>} : memref<50x32xf32, #tpu.memory_space<vmem>>, vector<16xf32>,
      %scan3A_145 = arith.constant 0 : i32
      %scan3A_146 = arith.constant 32 : i32
      %scan3A_147 = arith.addi %scan3A_145, %scan3A_146 : i32
      %scan3A_148 = arith.constant 1 : i32
      scf.for %scan3A_183 = %scan3A_145 to %scan3A_147 step %scan3A_148  : i32 {
        %mul3A_184 = arith.constant 4 : i32
        %mul3A_185 = arith.muli %scan3A_183, %mul3A_184 : i32
        %add3A_186 = arith.constant 0 : i32
        %add3A_187 = arith.addi %add3A_186, %mul3A_185 : i32
        %add3A_188 = arith.constant 0 : i32
        %add3A_189 = arith.addi %add3A_187, %add3A_188 : i32
        %get3A_190 = arith.index_cast %add3A_189 : i32 to index
        %get3A_191 = arith.constant 0 : index
        %get3A_192 = tpu.vector_load %arg13[%get3A_190, %get3A_191] {strides = array<i32>} : memref<128x32xf32, #tpu.memory_space<vmem>>, vector<16xf32>,
        %add3A_193 = arith.constant 0 : i32
        %add3A_194 = arith.addi %add3A_187, %add3A_193 : i32
        %get3A_195 = arith.index_cast %add3A_194 : i32 to index
        %get3A_196 = arith.constant 16 : index
        %get3A_197 = tpu.vector_load %arg13[%get3A_195, %get3A_196] {strides = array<i32>} : memref<128x32xf32, #tpu.memory_space<vmem>>, vector<16xf32>,
        %add3A_198 = arith.constant 0 : i32
        %add3A_199 = arith.addi %add3A_187, %add3A_198 : i32
        %mul3A_200 = arith.mulf %get3A_192, %get3A_141 : vector<16xf32>
        %swap3A = arith.index_cast %add3A_199 : i32 to index
        %swap3A_201 = arith.constant 0 : index
        %swap3A_202 = tpu.vector_load %arg8[%swap3A, %swap3A_201] {strides = array<i32>} : memref<128x32xf32, #tpu.memory_space<vmem>>, vector<16xf32>,
        tpu.vector_store %arg8[%swap3A, %swap3A_201], %mul3A_200 {add = true, strides = array<i32>} : memref<128x32xf32, #tpu.memory_space<vmem>>, vector<16xf32>,
        %add3A_203 = arith.constant 0 : i32
        %add3A_204 = arith.addi %add3A_187, %add3A_203 : i32
        %mul3A_205 = arith.mulf %get3A_197, %get3A_144 : vector<16xf32>
        %swap3A_206 = arith.index_cast %add3A_204 : i32 to index
        %swap3A_207 = arith.constant 16 : index
        %swap3A_208 = tpu.vector_load %arg8[%swap3A_206, %swap3A_207] {strides = array<i32>} : memref<128x32xf32, #tpu.memory_space<vmem>>, vector<16xf32>,
        tpu.vector_store %arg8[%swap3A_206, %swap3A_207], %mul3A_205 {add = true, strides = array<i32>} : memref<128x32xf32, #tpu.memory_space<vmem>>, vector<16xf32>,
        %add3A_209 = arith.constant 1 : i32
        %add3A_210 = arith.addi %add3A_187, %add3A_209 : i32
        %get3A_211 = arith.index_cast %add3A_210 : i32 to index
        %get3A_212 = arith.constant 0 : index
        %get3A_213 = tpu.vector_load %arg13[%get3A_211, %get3A_212] {strides = array<i32>} : memref<128x32xf32, #tpu.memory_space<vmem>>, vector<16xf32>,
        %add3A_214 = arith.constant 1 : i32
        %add3A_215 = arith.addi %add3A_187, %add3A_214 : i32
        %get3A_216 = arith.index_cast %add3A_215 : i32 to index
        %get3A_217 = arith.constant 16 : index
        %get3A_218 = tpu.vector_load %arg13[%get3A_216, %get3A_217] {strides = array<i32>} : memref<128x32xf32, #tpu.memory_space<vmem>>, vector<16xf32>,
        %add3A_219 = arith.constant 1 : i32
        %add3A_220 = arith.addi %add3A_187, %add3A_219 : i32
        %mul3A_221 = arith.mulf %get3A_213, %get3A_141 : vector<16xf32>
        %swap3A_222 = arith.index_cast %add3A_220 : i32 to index
        %swap3A_223 = arith.constant 0 : index
        %swap3A_224 = tpu.vector_load %arg8[%swap3A_222, %swap3A_223] {strides = array<i32>} : memref<128x32xf32, #tpu.memory_space<vmem>>, vector<16xf32>,
        tpu.vector_store %arg8[%swap3A_222, %swap3A_223], %mul3A_221 {add = true, strides = array<i32>} : memref<128x32xf32, #tpu.memory_space<vmem>>, vector<16xf32>,
        %add3A_225 = arith.constant 1 : i32
        %add3A_226 = arith.addi %add3A_187, %add3A_225 : i32
        %mul3A_227 = arith.mulf %get3A_218, %get3A_144 : vector<16xf32>
        %swap3A_228 = arith.index_cast %add3A_226 : i32 to index
        %swap3A_229 = arith.constant 16 : index
        %swap3A_230 = tpu.vector_load %arg8[%swap3A_228, %swap3A_229] {strides = array<i32>} : memref<128x32xf32, #tpu.memory_space<vmem>>, vector<16xf32>,
        tpu.vector_store %arg8[%swap3A_228, %swap3A_229], %mul3A_227 {add = true, strides = array<i32>} : memref<128x32xf32, #tpu.memory_space<vmem>>, vector<16xf32>,
        %add3A_231 = arith.constant 2 : i32
        %add3A_232 = arith.addi %add3A_187, %add3A_231 : i32
        %get3A_233 = arith.index_cast %add3A_232 : i32 to index
        %get3A_234 = arith.constant 0 : index
        %get3A_235 = tpu.vector_load %arg13[%get3A_233, %get3A_234] {strides = array<i32>} : memref<128x32xf32, #tpu.memory_space<vmem>>, vector<16xf32>,
        %add3A_236 = arith.constant 2 : i32
        %add3A_237 = arith.addi %add3A_187, %add3A_236 : i32
        %get3A_238 = arith.index_cast %add3A_237 : i32 to index
        %get3A_239 = arith.constant 16 : index
        %get3A_240 = tpu.vector_load %arg13[%get3A_238, %get3A_239] {strides = array<i32>} : memref<128x32xf32, #tpu.memory_space<vmem>>, vector<16xf32>,
        %add3A_241 = arith.constant 2 : i32
        %add3A_242 = arith.addi %add3A_187, %add3A_241 : i32
        %mul3A_243 = arith.mulf %get3A_235, %get3A_141 : vector<16xf32>
        %swap3A_244 = arith.index_cast %add3A_242 : i32 to index
        %swap3A_245 = arith.constant 0 : index
        %swap3A_246 = tpu.vector_load %arg8[%swap3A_244, %swap3A_245] {strides = array<i32>} : memref<128x32xf32, #tpu.memory_space<vmem>>, vector<16xf32>,
        tpu.vector_store %arg8[%swap3A_244, %swap3A_245], %mul3A_243 {add = true, strides = array<i32>} : memref<128x32xf32, #tpu.memory_space<vmem>>, vector<16xf32>,
        %add3A_247 = arith.constant 2 : i32
        %add3A_248 = arith.addi %add3A_187, %add3A_247 : i32
        %mul3A_249 = arith.mulf %get3A_240, %get3A_144 : vector<16xf32>
        %swap3A_250 = arith.index_cast %add3A_248 : i32 to index
        %swap3A_251 = arith.constant 16 : index
        %swap3A_252 = tpu.vector_load %arg8[%swap3A_250, %swap3A_251] {strides = array<i32>} : memref<128x32xf32, #tpu.memory_space<vmem>>, vector<16xf32>,
        tpu.vector_store %arg8[%swap3A_250, %swap3A_251], %mul3A_249 {add = true, strides = array<i32>} : memref<128x32xf32, #tpu.memory_space<vmem>>, vector<16xf32>,
        %add3A_253 = arith.constant 3 : i32
        %add3A_254 = arith.addi %add3A_187, %add3A_253 : i32
        %get3A_255 = arith.index_cast %add3A_254 : i32 to index
        %get3A_256 = arith.constant 0 : index
        %get3A_257 = tpu.vector_load %arg13[%get3A_255, %get3A_256] {strides = array<i32>} : memref<128x32xf32, #tpu.memory_space<vmem>>, vector<16xf32>,
        %add3A_258 = arith.constant 3 : i32
        %add3A_259 = arith.addi %add3A_187, %add3A_258 : i32
        %get3A_260 = arith.index_cast %add3A_259 : i32 to index
        %get3A_261 = arith.constant 16 : index
        %get3A_262 = tpu.vector_load %arg13[%get3A_260, %get3A_261] {strides = array<i32>} : memref<128x32xf32, #tpu.memory_space<vmem>>, vector<16xf32>,
        %add3A_263 = arith.constant 3 : i32
        %add3A_264 = arith.addi %add3A_187, %add3A_263 : i32
        %mul3A_265 = arith.mulf %get3A_257, %get3A_141 : vector<16xf32>
        %swap3A_266 = arith.index_cast %add3A_264 : i32 to index
        %swap3A_267 = arith.constant 0 : index
        %swap3A_268 = tpu.vector_load %arg8[%swap3A_266, %swap3A_267] {strides = array<i32>} : memref<128x32xf32, #tpu.memory_space<vmem>>, vector<16xf32>,
        tpu.vector_store %arg8[%swap3A_266, %swap3A_267], %mul3A_265 {add = true, strides = array<i32>} : memref<128x32xf32, #tpu.memory_space<vmem>>, vector<16xf32>,
        %add3A_269 = arith.constant 3 : i32
        %add3A_270 = arith.addi %add3A_187, %add3A_269 : i32
        %mul3A_271 = arith.mulf %get3A_262, %get3A_144 : vector<16xf32>
        %swap3A_272 = arith.index_cast %add3A_270 : i32 to index
        %swap3A_273 = arith.constant 16 : index
        %swap3A_274 = tpu.vector_load %arg8[%swap3A_272, %swap3A_273] {strides = array<i32>} : memref<128x32xf32, #tpu.memory_space<vmem>>, vector<16xf32>,
        tpu.vector_store %arg8[%swap3A_272, %swap3A_273], %mul3A_271 {add = true, strides = array<i32>} : memref<128x32xf32, #tpu.memory_space<vmem>>, vector<16xf32>,
      }
      %scan3A_149 = arith.constant 32 : i32
      %add3A_150 = arith.constant 5 : i32
      %add3A_151 = arith.addi %add3A_132, %add3A_150 : i32
      %lt3A_152 = arith.constant 50 : i32
      %lt3A_153 = arith.cmpi slt, %add3A_151, %lt3A_152 : i32
      %convert_element_type3A_154 = arith.extui %lt3A_153 : i1 to i32
      %cond3A_155 = arith.constant 0 : i32
      %cond3A_156 = arith.cmpi ne, %convert_element_type3A_154, %cond3A_155 : i32
      scf.if %cond3A_156 {
        %add3A_183 = arith.constant 5 : i32
        %add3A_184 = arith.addi %add3A_132, %add3A_183 : i32
        %dma_start3A_185 = arith.constant 0 : i32
        %dma_start3A_186 = tpu.memref_slice %arg7[%add3A_184, %dma_start3A_185] : memref<50x128xi32, #tpu.memory_space<vmem>> -> memref<1x128xi32, #tpu.memory_space<vmem>>
        %dma_start3A_187 = tpu.memref_squeeze %dma_start3A_186 : memref<1x128xi32, #tpu.memory_space<vmem>> -> memref<128xi32, #tpu.memory_space<vmem>>
        %dma_start3A_188 = arith.constant 0 : i32
        %dma_start3A_189 = arith.constant 0 : i32
        %dma_start3A_190 = tpu.memref_slice %arg3[%dma_start3A_188, %dma_start3A_189] : memref<1000000x32xf32, #tpu.memory_space<hbm>> -> memref<1000000x32xf32, #tpu.memory_space<hbm>>
        tpu.enqueue_indirect_dma source(%dma_start3A_190 : memref<1000000x32xf32, #tpu.memory_space<hbm>>) target(%arg13 : memref<128x32xf32, #tpu.memory_space<vmem>>) offsets(%dma_start3A_187 : memref<128xi32, #tpu.memory_space<vmem>>) semaphore(%arg18 : memref<!tpu.dma_semaphore, #tpu.memory_space<semaphore_mem>>)
      } else {
      }
      %add3A_157 = arith.constant 4 : i32
      %add3A_158 = arith.addi %add3A_57, %add3A_157 : i32
      %dma_wait3A_159 = arith.constant 0 : i32
      %dma_wait3A_160 = tpu.memref_slice %arg7[%add3A_158, %dma_wait3A_159] : memref<50x128xi32, #tpu.memory_space<vmem>> -> memref<1x128xi32, #tpu.memory_space<vmem>>
      %dma_wait3A_161 = tpu.memref_squeeze %dma_wait3A_160 : memref<1x128xi32, #tpu.memory_space<vmem>> -> memref<128xi32, #tpu.memory_space<vmem>>
      %dma_wait3A_162 = arith.constant 0 : i32
      %dma_wait3A_163 = arith.constant 0 : i32
      %dma_wait3A_164 = tpu.memref_slice %arg3[%dma_wait3A_162, %dma_wait3A_163] : memref<1000000x32xf32, #tpu.memory_space<hbm>> -> memref<1000000x32xf32, #tpu.memory_space<hbm>>
      tpu.wait_indirect_dma semaphore(%arg19 : memref<!tpu.dma_semaphore, #tpu.memory_space<semaphore_mem>>) src(%dma_wait3A_164 : memref<1000000x32xf32, #tpu.memory_space<hbm>>) dst(%arg14 : memref<128x32xf32, #tpu.memory_space<vmem>>)
      %get3A_165 = arith.index_cast %add3A_158 : i32 to index
      %get3A_166 = arith.constant 0 : index
      %get3A_167 = tpu.vector_load %arg9[%get3A_165, %get3A_166] {strides = array<i32>} : memref<50x32xf32, #tpu.memory_space<vmem>>, vector<16xf32>,
      %get3A_168 = arith.index_cast %add3A_158 : i32 to index
      %get3A_169 = arith.constant 16 : index
      %get3A_170 = tpu.vector_load %arg9[%get3A_168, %get3A_169] {strides = array<i32>} : memref<50x32xf32, #tpu.memory_space<vmem>>, vector<16xf32>,
      %scan3A_171 = arith.constant 0 : i32
      %scan3A_172 = arith.constant 32 : i32
      %scan3A_173 = arith.addi %scan3A_171, %scan3A_172 : i32
      %scan3A_174 = arith.constant 1 : i32
      scf.for %scan3A_183 = %scan3A_171 to %scan3A_173 step %scan3A_174  : i32 {
        %mul3A_184 = arith.constant 4 : i32
        %mul3A_185 = arith.muli %scan3A_183, %mul3A_184 : i32
        %add3A_186 = arith.constant 0 : i32
        %add3A_187 = arith.addi %add3A_186, %mul3A_185 : i32
        %add3A_188 = arith.constant 0 : i32
        %add3A_189 = arith.addi %add3A_187, %add3A_188 : i32
        %get3A_190 = arith.index_cast %add3A_189 : i32 to index
        %get3A_191 = arith.constant 0 : index
        %get3A_192 = tpu.vector_load %arg14[%get3A_190, %get3A_191] {strides = array<i32>} : memref<128x32xf32, #tpu.memory_space<vmem>>, vector<16xf32>,
        %add3A_193 = arith.constant 0 : i32
        %add3A_194 = arith.addi %add3A_187, %add3A_193 : i32
        %get3A_195 = arith.index_cast %add3A_194 : i32 to index
        %get3A_196 = arith.constant 16 : index
        %get3A_197 = tpu.vector_load %arg14[%get3A_195, %get3A_196] {strides = array<i32>} : memref<128x32xf32, #tpu.memory_space<vmem>>, vector<16xf32>,
        %add3A_198 = arith.constant 0 : i32
        %add3A_199 = arith.addi %add3A_187, %add3A_198 : i32
        %mul3A_200 = arith.mulf %get3A_192, %get3A_167 : vector<16xf32>
        %swap3A = arith.index_cast %add3A_199 : i32 to index
        %swap3A_201 = arith.constant 0 : index
        %swap3A_202 = tpu.vector_load %arg8[%swap3A, %swap3A_201] {strides = array<i32>} : memref<128x32xf32, #tpu.memory_space<vmem>>, vector<16xf32>,
        tpu.vector_store %arg8[%swap3A, %swap3A_201], %mul3A_200 {add = true, strides = array<i32>} : memref<128x32xf32, #tpu.memory_space<vmem>>, vector<16xf32>,
        %add3A_203 = arith.constant 0 : i32
        %add3A_204 = arith.addi %add3A_187, %add3A_203 : i32
        %mul3A_205 = arith.mulf %get3A_197, %get3A_170 : vector<16xf32>
        %swap3A_206 = arith.index_cast %add3A_204 : i32 to index
        %swap3A_207 = arith.constant 16 : index
        %swap3A_208 = tpu.vector_load %arg8[%swap3A_206, %swap3A_207] {strides = array<i32>} : memref<128x32xf32, #tpu.memory_space<vmem>>, vector<16xf32>,
        tpu.vector_store %arg8[%swap3A_206, %swap3A_207], %mul3A_205 {add = true, strides = array<i32>} : memref<128x32xf32, #tpu.memory_space<vmem>>, vector<16xf32>,
        %add3A_209 = arith.constant 1 : i32
        %add3A_210 = arith.addi %add3A_187, %add3A_209 : i32
        %get3A_211 = arith.index_cast %add3A_210 : i32 to index
        %get3A_212 = arith.constant 0 : index
        %get3A_213 = tpu.vector_load %arg14[%get3A_211, %get3A_212] {strides = array<i32>} : memref<128x32xf32, #tpu.memory_space<vmem>>, vector<16xf32>,
        %add3A_214 = arith.constant 1 : i32
        %add3A_215 = arith.addi %add3A_187, %add3A_214 : i32
        %get3A_216 = arith.index_cast %add3A_215 : i32 to index
        %get3A_217 = arith.constant 16 : index
        %get3A_218 = tpu.vector_load %arg14[%get3A_216, %get3A_217] {strides = array<i32>} : memref<128x32xf32, #tpu.memory_space<vmem>>, vector<16xf32>,
        %add3A_219 = arith.constant 1 : i32
        %add3A_220 = arith.addi %add3A_187, %add3A_219 : i32
        %mul3A_221 = arith.mulf %get3A_213, %get3A_167 : vector<16xf32>
        %swap3A_222 = arith.index_cast %add3A_220 : i32 to index
        %swap3A_223 = arith.constant 0 : index
        %swap3A_224 = tpu.vector_load %arg8[%swap3A_222, %swap3A_223] {strides = array<i32>} : memref<128x32xf32, #tpu.memory_space<vmem>>, vector<16xf32>,
        tpu.vector_store %arg8[%swap3A_222, %swap3A_223], %mul3A_221 {add = true, strides = array<i32>} : memref<128x32xf32, #tpu.memory_space<vmem>>, vector<16xf32>,
        %add3A_225 = arith.constant 1 : i32
        %add3A_226 = arith.addi %add3A_187, %add3A_225 : i32
        %mul3A_227 = arith.mulf %get3A_218, %get3A_170 : vector<16xf32>
        %swap3A_228 = arith.index_cast %add3A_226 : i32 to index
        %swap3A_229 = arith.constant 16 : index
        %swap3A_230 = tpu.vector_load %arg8[%swap3A_228, %swap3A_229] {strides = array<i32>} : memref<128x32xf32, #tpu.memory_space<vmem>>, vector<16xf32>,
        tpu.vector_store %arg8[%swap3A_228, %swap3A_229], %mul3A_227 {add = true, strides = array<i32>} : memref<128x32xf32, #tpu.memory_space<vmem>>, vector<16xf32>,
        %add3A_231 = arith.constant 2 : i32
        %add3A_232 = arith.addi %add3A_187, %add3A_231 : i32
        %get3A_233 = arith.index_cast %add3A_232 : i32 to index
        %get3A_234 = arith.constant 0 : index
        %get3A_235 = tpu.vector_load %arg14[%get3A_233, %get3A_234] {strides = array<i32>} : memref<128x32xf32, #tpu.memory_space<vmem>>, vector<16xf32>,
        %add3A_236 = arith.constant 2 : i32
        %add3A_237 = arith.addi %add3A_187, %add3A_236 : i32
        %get3A_238 = arith.index_cast %add3A_237 : i32 to index
        %get3A_239 = arith.constant 16 : index
        %get3A_240 = tpu.vector_load %arg14[%get3A_238, %get3A_239] {strides = array<i32>} : memref<128x32xf32, #tpu.memory_space<vmem>>, vector<16xf32>,
        %add3A_241 = arith.constant 2 : i32
        %add3A_242 = arith.addi %add3A_187, %add3A_241 : i32
        %mul3A_243 = arith.mulf %get3A_235, %get3A_167 : vector<16xf32>
        %swap3A_244 = arith.index_cast %add3A_242 : i32 to index
        %swap3A_245 = arith.constant 0 : index
        %swap3A_246 = tpu.vector_load %arg8[%swap3A_244, %swap3A_245] {strides = array<i32>} : memref<128x32xf32, #tpu.memory_space<vmem>>, vector<16xf32>,
        tpu.vector_store %arg8[%swap3A_244, %swap3A_245], %mul3A_243 {add = true, strides = array<i32>} : memref<128x32xf32, #tpu.memory_space<vmem>>, vector<16xf32>,
        %add3A_247 = arith.constant 2 : i32
        %add3A_248 = arith.addi %add3A_187, %add3A_247 : i32
        %mul3A_249 = arith.mulf %get3A_240, %get3A_170 : vector<16xf32>
        %swap3A_250 = arith.index_cast %add3A_248 : i32 to index
        %swap3A_251 = arith.constant 16 : index
        %swap3A_252 = tpu.vector_load %arg8[%swap3A_250, %swap3A_251] {strides = array<i32>} : memref<128x32xf32, #tpu.memory_space<vmem>>, vector<16xf32>,
        tpu.vector_store %arg8[%swap3A_250, %swap3A_251], %mul3A_249 {add = true, strides = array<i32>} : memref<128x32xf32, #tpu.memory_space<vmem>>, vector<16xf32>,
        %add3A_253 = arith.constant 3 : i32
        %add3A_254 = arith.addi %add3A_187, %add3A_253 : i32
        %get3A_255 = arith.index_cast %add3A_254 : i32 to index
        %get3A_256 = arith.constant 0 : index
        %get3A_257 = tpu.vector_load %arg14[%get3A_255, %get3A_256] {strides = array<i32>} : memref<128x32xf32, #tpu.memory_space<vmem>>, vector<16xf32>,
        %add3A_258 = arith.constant 3 : i32
        %add3A_259 = arith.addi %add3A_187, %add3A_258 : i32
        %get3A_260 = arith.index_cast %add3A_259 : i32 to index
        %get3A_261 = arith.constant 16 : index
        %get3A_262 = tpu.vector_load %arg14[%get3A_260, %get3A_261] {strides = array<i32>} : memref<128x32xf32, #tpu.memory_space<vmem>>, vector<16xf32>,
        %add3A_263 = arith.constant 3 : i32
        %add3A_264 = arith.addi %add3A_187, %add3A_263 : i32
        %mul3A_265 = arith.mulf %get3A_257, %get3A_167 : vector<16xf32>
        %swap3A_266 = arith.index_cast %add3A_264 : i32 to index
        %swap3A_267 = arith.constant 0 : index
        %swap3A_268 = tpu.vector_load %arg8[%swap3A_266, %swap3A_267] {strides = array<i32>} : memref<128x32xf32, #tpu.memory_space<vmem>>, vector<16xf32>,
        tpu.vector_store %arg8[%swap3A_266, %swap3A_267], %mul3A_265 {add = true, strides = array<i32>} : memref<128x32xf32, #tpu.memory_space<vmem>>, vector<16xf32>,
        %add3A_269 = arith.constant 3 : i32
        %add3A_270 = arith.addi %add3A_187, %add3A_269 : i32
        %mul3A_271 = arith.mulf %get3A_262, %get3A_170 : vector<16xf32>
        %swap3A_272 = arith.index_cast %add3A_270 : i32 to index
        %swap3A_273 = arith.constant 16 : index
        %swap3A_274 = tpu.vector_load %arg8[%swap3A_272, %swap3A_273] {strides = array<i32>} : memref<128x32xf32, #tpu.memory_space<vmem>>, vector<16xf32>,
        tpu.vector_store %arg8[%swap3A_272, %swap3A_273], %mul3A_271 {add = true, strides = array<i32>} : memref<128x32xf32, #tpu.memory_space<vmem>>, vector<16xf32>,
      }
      %scan3A_175 = arith.constant 32 : i32
      %add3A_176 = arith.constant 5 : i32
      %add3A_177 = arith.addi %add3A_158, %add3A_176 : i32
      %lt3A_178 = arith.constant 50 : i32
      %lt3A_179 = arith.cmpi slt, %add3A_177, %lt3A_178 : i32
      %convert_element_type3A_180 = arith.extui %lt3A_179 : i1 to i32
      %cond3A_181 = arith.constant 0 : i32
      %cond3A_182 = arith.cmpi ne, %convert_element_type3A_180, %cond3A_181 : i32
      scf.if %cond3A_182 {
        %add3A_183 = arith.constant 5 : i32
        %add3A_184 = arith.addi %add3A_158, %add3A_183 : i32
        %dma_start3A_185 = arith.constant 0 : i32
        %dma_start3A_186 = tpu.memref_slice %arg7[%add3A_184, %dma_start3A_185] : memref<50x128xi32, #tpu.memory_space<vmem>> -> memref<1x128xi32, #tpu.memory_space<vmem>>
        %dma_start3A_187 = tpu.memref_squeeze %dma_start3A_186 : memref<1x128xi32, #tpu.memory_space<vmem>> -> memref<128xi32, #tpu.memory_space<vmem>>
        %dma_start3A_188 = arith.constant 0 : i32
        %dma_start3A_189 = arith.constant 0 : i32
        %dma_start3A_190 = tpu.memref_slice %arg3[%dma_start3A_188, %dma_start3A_189] : memref<1000000x32xf32, #tpu.memory_space<hbm>> -> memref<1000000x32xf32, #tpu.memory_space<hbm>>
        tpu.enqueue_indirect_dma source(%dma_start3A_190 : memref<1000000x32xf32, #tpu.memory_space<hbm>>) target(%arg14 : memref<128x32xf32, #tpu.memory_space<vmem>>) offsets(%dma_start3A_187 : memref<128xi32, #tpu.memory_space<vmem>>) semaphore(%arg19 : memref<!tpu.dma_semaphore, #tpu.memory_space<semaphore_mem>>)
      } else {
      }
    }
    %scan3A_50 = arith.constant 10 : i32
    %mul3A_51 = arith.constant 128 : i32
    %mul3A_52 = arith.muli %add3A, %mul3A_51 : i32
    "tpu.region"() ({
      %run_scoped3A = tpu.sem_alloc : memref<!tpu.dma_semaphore, #tpu.memory_space<semaphore_mem>>
      %dma_start3A_53 = arith.constant 0 : i32
      %dma_start3A_54 = tpu.memref_slice %arg5[%mul3A_52, %dma_start3A_53] : memref<4096x32xf32, #tpu.memory_space<hbm>> -> memref<128x32xf32, #tpu.memory_space<hbm>>
      %dma_start3A_55 = arith.constant 0 : i32
      %dma_start3A_56 = tpu.memref_slice %arg5[%mul3A_52, %dma_start3A_55] : memref<4096x32xf32, #tpu.memory_space<hbm>> -> memref<128x32xf32, #tpu.memory_space<hbm>>
      tpu.enqueue_dma source(%arg8 : memref<128x32xf32, #tpu.memory_space<vmem>>) target(%dma_start3A_56 : memref<128x32xf32, #tpu.memory_space<hbm>>) target_semaphore(%run_scoped3A : memref<!tpu.dma_semaphore, #tpu.memory_space<semaphore_mem>>)
      %dma_wait3A = arith.constant 0 : i32
      %dma_wait3A_57 = tpu.memref_slice %arg5[%mul3A_52, %dma_wait3A] : memref<4096x32xf32, #tpu.memory_space<hbm>> -> memref<128x32xf32, #tpu.memory_space<hbm>>
      %dma_wait3A_58 = arith.constant 0 : i32
      %dma_wait3A_59 = tpu.memref_slice %arg5[%mul3A_52, %dma_wait3A_58] : memref<4096x32xf32, #tpu.memory_space<hbm>> -> memref<128x32xf32, #tpu.memory_space<hbm>>
      tpu.wait_dma2 semaphore(%run_scoped3A : memref<!tpu.dma_semaphore, #tpu.memory_space<semaphore_mem>>) src(%arg8 : memref<128x32xf32, #tpu.memory_space<vmem>>) dst(%dma_wait3A_59 : memref<128x32xf32, #tpu.memory_space<hbm>>)
      tpu.yield
    }) : () -> ()
    return
  }
}

module attributes {stable_mosaic.version = 14 : i64} {
  func.func @_tc_finish_body(%arg0: memref<4096x32xf32, #tpu.memory_space<vmem>>, %arg1: memref<1x1xf32, #tpu.memory_space<vmem>>, %arg2: memref<4096x1xf32, #tpu.memory_space<vmem>>) attributes {dimension_semantics = [], scalar_prefetch = 0 : i64, scratch_operands = 0 : i64, tpu.core_type = #tpu.core_type<tc>} {
    %get3A = arith.constant 0 : index
    %get3A_0 = arith.constant 0 : index
    %get3A_1 = vector.load %arg0[%get3A, %get3A_0] : memref<4096x32xf32, #tpu.memory_space<vmem>>, vector<4096x32xf32>
    %reduce_sum3A = arith.constant dense<0.000000e+00> : vector<4096xf32>
    %reduce_sum3A_2 = vector.multi_reduction <add>, %get3A_1, %reduce_sum3A [1] : vector<4096x32xf32> to vector<4096xf32>
    %broadcast_in_dim3A = vector.shape_cast %reduce_sum3A_2 : vector<4096xf32> to vector<4096x1xf32>
    %get3A_3 = arith.constant 0 : index
    %get3A_4 = arith.constant 0 : index
    %get3A_5 = vector.load %arg1[%get3A_3, %get3A_4] : memref<1x1xf32, #tpu.memory_space<vmem>>, vector<1x1xf32>
    %get3A_6 = vector.extract %get3A_5[0, 0] : f32 from vector<1x1xf32>
    %add3A = vector.broadcast %get3A_6 : f32 to vector<4096x1xf32>
    %add3A_7 = arith.addf %broadcast_in_dim3A, %add3A : vector<4096x1xf32>
    %logistic3A = arith.negf %add3A_7 : vector<4096x1xf32>
    %logistic3A_8 = math.exp %logistic3A : vector<4096x1xf32>
    %logistic3A_9 = arith.constant 1.000000e+00 : f32
    %logistic3A_10 = vector.broadcast %logistic3A_9 : f32 to vector<4096x1xf32>
    %logistic3A_11 = arith.addf %logistic3A_10, %logistic3A_8 : vector<4096x1xf32>
    %logistic3A_12 = arith.divf %logistic3A_10, %logistic3A_11 : vector<4096x1xf32>
    %swap3A = arith.constant 0 : index
    %swap3A_13 = arith.constant 0 : index
    %swap3A_14 = vector.load %arg2[%swap3A, %swap3A_13] : memref<4096x1xf32, #tpu.memory_space<vmem>>, vector<4096x1xf32>
    tpu.vector_store %arg2[%swap3A, %swap3A_13], %logistic3A_12 {strides = array<i32>} : memref<4096x1xf32, #tpu.memory_space<vmem>>, vector<4096x1xf32>,
    return
  }
}

</mosaic_0001>

<sc_bundles>
// kernel: kernel.4.cloned.1.call-start
scs
__scs_entry_jumppad:
0x0: {  	(pc) =	sbr.rel $0x88, $3  }
0x1: {  	(tag) =	ssettag $0x0;
	lr =	simm.s32 $0x1  }
0x2: {  	[smem:$0x3F9D] =	sst lr;
	_ =	strace $0xD0000000  }
0x3: {  	_ = 	snop  }
0x4: {  	_ = 	snop  }
0x5: {  	_ = 	snop  }
0x6: {  	_ = 	snop  }
0x7: {  	_ = 	snop  }
__scs_overlays_trampoline_lowered:
0x8: {  	[smem:$0x3FAC] =	sst s0  }
0x9: {  	[smem:$0x3FAD] =	sst s1  }
0xa: {  	[smem:$0x3FAE] =	sst s2  }
0xb: {  	[smem:$0x3FAF] =	sst s3  }
0xc: {  	[smem:$0x3FB0] =	sst s4  }
0xd: {  	[smem:$0x3FB1] =	sst s5  }
0xe: {  	[smem:$0x3FB2] =	sst s6  }
0xf: {  	[smem:$0x3FB3] =	sst s7  }
0x10: {  	[smem:$0x3FB4] =	sst s8  }
0x11: {  	[smem:$0x3FB5] =	sst s9;
	s0 =	simm.s32 @!p0 $0x0  }
0x12: {  	s1 =	sld [smem:$0x3F9B];
	s0 =	simm.s32 @p0 $0x1  }
0x13: {  	[smem:$0x3FB6] =	sst s0;
	s0 =	simm.s32 @!p1 $0x0  }
0x14: {  	s2 =	sld [smem:$0x3F9A];
	s0 =	simm.s32 @p1 $0x1  }
0x15: {  	[smem:$0x3FB7] =	sst s0;
	s0 =	simm.s32 @!p2 $0x0  }
0x16: {  	s3 =	sld [smem:$0x3FDB];
	s0 =	simm.s32 @p2 $0x1  }
0x17: {  	s4 =	simm.s32 $0x1BF5;
	[smem:$0x3FB9] =	sst s0  }
0x18: {  	s0 =	sld [smem:$0x3F9C];
	_ =	swait.ge [sflag:s4], $0x0  }
0x19: {  	s7 =	sld [smem:$0x3F9D]  }
0x1a: {  	s8 =	sadd.s32 $0xFFFFE003, lr  }
0x1b: {  	s9 =	sadd.s32 $0xFFFFFEF7, lr;
	s5 =	simm.s32 $0xFFFFFFFF;
	p2 =	slt.u32 s8, $0xFFFFF086  }
0x1c: {  	p1 =	slt.u32 s9, $0xF7A;
	s5 =	simm.s32 @!p2 $0x0  }
0x1d: {  	s5 =	simm.s32 @p1 $0x1;
	p0 =	seq.s32 s7, s2  }
0x1e: {  	s7 =	smul.u32 @!p0 $0xF7A, s2;
	p2 =	seq.s32 @!p0 s5, $0x0  }
0x1f: {  	s9 =	smul.u32 $0xF7A, s1;
	s8 =	simm.s32 @!p0 $0x1BF5;
	p2 =	por !p2, p0  }
0x20: {  	[sflag:s8] =	ssyncset.s32 @!p0 $0xFFFFF086;
	s6 =	sadd.s32 @!p0 s3, s7;
	s7 =	simm.s32 @!p0 $0x108  }
0x21: {  	s3 =	sadd.s32 s3, s9;
	s6 =	sadd.s32 @!p0 $0x88, s6;
	s7 =	simm.s32 @p2 $0x1082  }
0x22: {  	[simem:s7], [sflag:s8] =	dma.local @!p0 [hbm:s6], $0xF7A  }
0x23: {  	s9 =	sor.u32 $0xD0000000, s2;
	s6 =	simm.s32 $0x108;
	_ =	swait.ge @!p0 [sflag:s8], $0x0  }
0x24: {  	s3 =	sadd.s32 $0x88, s3;
	s6 =	simm.s32 @!p1 $0x1082;
	[sflag:s4] =	ssyncset.s32 $0xFFFFF086  }
0x25: {  	[simem:s6], [sflag:s4] =	dma.local [hbm:s3], $0xF7A  }
0x26: {  	[smem:$0x3F9D] =	sst s1;
	(tag) =	ssettag s2;
	_ =	strace s9  }
0x27: {  	s1 =	sld [smem:$0x3FAD]  }
0x28: {  	s2 =	sld [smem:$0x3FAE]  }
0x29: {  	s4 =	sld [smem:$0x3FB0]  }
0x2a: {  	p0 =	seq.s32 s5, $0x0;
	s5 =	sld [smem:$0x3FB1]  }
0x2b: {  	s6 =	sld [smem:$0x3FB2]  }
0x2c: {  	s7 =	sld [smem:$0x3FB3]  }
0x2d: {  	s3 =	simm.s32 $0x108;
	s8 =	sld [smem:$0x3FB4]  }
0x2e: {  	s3 =	simm.s32 @!p0 $0x1082;
	s9 =	sld [smem:$0x3FB5]  }
0x2f: {  	lr =	sadd.s32 s0, s3;
	s0 =	sld [smem:$0x3FAC]  }
0x30: {  	s3 =	sld [smem:$0x3FAF]  }
0x31: {  	[smem:$0x3FB8] =	sst s10  }
0x32: {  	s10 =	sld [smem:$0x3FB6];
	_ =	sdelay $0x3  }
0x33: {  	p0 =	seq.s32 s10, $0x1;
	s10 =	sld [smem:$0x3FB8];
	_ =	sdelay $0x3  }
0x34: {  	[smem:$0x3FB8] =	sst s10  }
0x35: {  	s10 =	sld [smem:$0x3FB7];
	_ =	sdelay $0x3  }
0x36: {  	p1 =	seq.s32 s10, $0x1;
	s10 =	sld [smem:$0x3FB8];
	_ =	sdelay $0x3  }
0x37: {  	[smem:$0x3FB8] =	sst s10  }
0x38: {  	s10 =	sld [smem:$0x3FB9]  }
0x39: {  	_ = 	snop;
	(pc) =	sbr.ind lr, $3  }
0x3a: {  	_ = 	snop  }
0x3b: {  	_ = 	snop  }
0x3c: {  	p2 =	seq.s32 s10, $0x1;
	s10 =	sld [smem:$0x3FB8]  }
0x3d: {  	_ =	shalt  }
0x3e: {  	_ =	shalt  }
0x3f: {  	_ =	shalt  }
0x40: {  	_ =	shalt  }
0x41: {  	_ =	shalt  }
0x42: {  	_ =	shalt  }
0x43: {  	_ =	shalt  }
0x44: {  	_ =	shalt  }
0x45: {  	_ =	shalt  }
0x46: {  	_ =	shalt  }
0x47: {  	_ =	shalt  }
0x48: {  	_ =	shalt  }
0x49: {  	_ =	shalt  }
0x4a: {  	_ =	shalt  }
0x4b: {  	_ =	shalt  }
0x4c: {  	_ =	shalt  }
0x4d: {  	_ =	shalt  }
0x4e: {  	_ =	shalt  }
0x4f: {  	_ =	shalt  }
0x50: {  	_ =	shalt  }
0x51: {  	_ =	shalt  }
0x52: {  	_ =	shalt  }
0x53: {  	_ =	shalt  }
0x54: {  	_ =	shalt  }
0x55: {  	_ =	shalt  }
0x56: {  	_ =	shalt  }
0x57: {  	_ =	shalt  }
0x58: {  	_ =	shalt  }
0x59: {  	_ =	shalt  }
0x5a: {  	_ =	shalt  }
0x5b: {  	_ =	shalt  }
0x5c: {  	_ =	shalt  }
0x5d: {  	_ =	shalt  }
0x5e: {  	_ =	shalt  }
0x5f: {  	_ =	shalt  }
0x60: {  	_ =	shalt  }
0x61: {  	_ =	shalt  }
0x62: {  	_ =	shalt  }
0x63: {  	_ =	shalt  }
0x64: {  	_ =	shalt  }
0x65: {  	_ =	shalt  }
0x66: {  	_ =	shalt  }
0x67: {  	_ =	shalt  }
0x68: {  	_ =	shalt  }
0x69: {  	_ =	shalt  }
0x6a: {  	_ =	shalt  }
0x6b: {  	_ =	shalt  }
0x6c: {  	_ =	shalt  }
0x6d: {  	_ =	shalt  }
0x6e: {  	_ =	shalt  }
0x6f: {  	_ =	shalt  }
0x70: {  	_ =	shalt  }
0x71: {  	_ =	shalt  }
0x72: {  	_ =	shalt  }
0x73: {  	_ =	shalt  }
0x74: {  	_ =	shalt  }
0x75: {  	_ =	shalt  }
0x76: {  	_ =	shalt  }
0x77: {  	_ =	shalt  }
0x78: {  	_ =	shalt  }
0x79: {  	_ =	shalt  }
0x7a: {  	_ =	shalt  }
0x7b: {  	_ =	shalt  }
0x7c: {  	_ =	shalt  }
0x7d: {  	_ =	shalt  }
0x7e: {  	_ =	shalt  }
0x7f: {  	_ =	shalt  }
0x80: {  	_ =	shalt  }
0x81: {  	_ =	shalt  }
0x82: {  	_ =	shalt  }
0x83: {  	_ =	shalt  }
0x84: {  	_ =	shalt  }
0x85: {  	_ =	shalt  }
0x86: {  	_ =	shalt  }
0x87: {  	_ =	shalt  }
.Lfunc_end0:
.L_simem_size_0:
called_computation_lowered:
.L_overlay_start_0:
0x88: {  	s2 =	sld [smem:$0x3FD9]  }
0x89: {  	s3 =	sld [smem:$0x3FFE];
	_ =	sdelay $0x1  }
0x8a: {  	s1 =	srdreg.scid  }
0x8b: {  	s0 =	sand.u32 $0x1, s1  }
0x8c: {  	s17 =	sshll.u32 s0, $0xA;
	s2 =	sadd.s32 s3, s2  }
0x8d: {  	s2 =	sadd.s32 s2, s17  }
0x8e: {  	[smem:$0x3FC4] =	sst s2  }
0x8f: {  	_ = 	snop  }
0x90: {  	s2 =	sld [smem:$0x3FD0];
	(tm) =	ssettm $0x1  }
0x91: {  	s18 =	sld [smem:$0x3FFB];
	_ =	sdelay $0x3  }
0x92: {  	_ =	strace s18  }
0x93: {  	s3 =	sld [smem:$0x3FFC];
	_ =	sdelay $0x3  }
0x94: {  	_ =	strace s3  }
0x95: {  	s3 =	sld [smem:$0x3FFD];
	_ =	sdelay $0x3  }
0x96: {  	_ =	strace s3  }
0x97: {  	_ =	strace $0x8FFFFFFF  }
0x98: {  	s19 =	sld [smem:$0x3FDB];
	_ =	sdelay $0x1  }
0x99: {  	s4 =	simm.s32 $_scs_section_size  }
0x9a: {  	s5 =	simm.s32 $_size__tile_overlayer_lowered;
	s6 =	simm.s32 $_tile_overlayer_lowered  }
0x9b: {  	s22 =	simm.s32 $0x1BFF;
	s21 =	sshll.u32 s6, $0x1;
	s3 =	sadd.s32 s4, s19  }
0x9c: {  	s7 =	simm.s32 $0x0;
	s20 =	sshll.u32 s5, $0x1;
	s5 =	sadd.s32 s21, s3  }
0x9d: {  	[timem:s7], [sflag:s22] =	dma.local [hbm:s5], s20  }
0x9e: {  	_ =	swait.ge [sflag:s22], s20  }
0x9f: {  	s4 =	ssub.s32 $0x0, s20;
	[sflag:s22] =	ssyncset.done $0x0  }
0xa0: {  	[sflag:s22] =	ssyncadd.s32 s4;
	_ =	sdelay $0x1  }
0xa1: {  	s23 =	simm.s32 $0x1B8B  }
0xa2: {  	_ =	swait.ge [sflag:s23], $0x1  }
0xa3: {  	[sflag:s23] =	ssyncset.done $0x0  }
0xa4: {  	s25 =	simm.s32 $0x1B8E;
	s24 =	sld [smem:$0x3FFE];
	[sflag:s23] =	ssyncadd.s32 $0xFFFFFFFF  }
0xa5: {  	s26 =	simm.s32 $execute0_lowered;
	[smem:$0x3FD2] =	sst s25  }
0xa6: {  	s5 =	sshll.u32 s26, $0x1;
	_ =	strace $0x80000046;
	[dreg:$0x1] =	wrdreg $0xFFFFFFFF  }
0xa7: {  	s28 =	simm.s32 $_size_execute0_lowered;
	s3 =	sadd.s32 s3, s5;
	[dreg:$0x0] =	wrdreg $0x0  }
0xa8: {  	s5 =	sshll.u32 s28, $0x1;
	[dreg:$0x2] =	wrdreg s3  }
0xa9: {  	[dreg:$0x3] =	wrdreg s5  }
0xaa: {  	[dreg:$0x4] =	wrdreg $0xC0  }
0xab: {  	_ =	task [dreg:s7], $0x5FFFF  }
0xac: {  	[dreg:$0x1] =	wrdreg $0xFFFFFFFF  }
0xad: {  	[dreg:$0x0] =	wrdreg $0x60  }
0xae: {  	[dreg:$0x2] =	wrdreg s24  }
0xaf: {  	[dreg:$0x3] =	wrdreg s2  }
0xb0: {  	[dreg:$0x4] =	wrdreg $0x9  }
0xb1: {  	_ =	task.clear_ibuf [dreg:s7], $0x5FFFF;
	_ =	strace $0x90000046  }
0xb2: {  	s29 =	simm.s32 $0x9;
	_ =	strace $0x80000048  }
0xb3: {  	_ =	swait.ge [sflag:s29], $0x1  }
0xb4: {  	[sflag:s29] =	ssyncadd.s32 $0xFFFFFFFF  }
0xb5: {  	_ =	strace $0x90000048  }
0xb6: {  	_ =	sfence  }
0xb7: {  	s30 =	sld [smem:$0x0];
	_ =	sdelay $0x2  }
0xb8: {  	s31 =	sshll.u32 s1, $0xD;
	s1 =	sshrl.u32 s1, $0x2  }
0xb9: {  	s3 =	sand.u32 $0x4000, s31;
	s1 =	sadd.s32 s1, s30  }
0xba: {  	s0 =	sor.u32 s3, s0;
	s1 =	sshll.u32 s1, $0x11  }
0xbb: {  	s0 =	sor.u32 s1, s0  }
0xbc: {  	s0 =	sadd.s32 $0x8F2B, s0  }
0xbd: {  	[sflag:s0] =	ssyncadd.remote.s32 $0x1  }
0xbe: {  	_ =	sfence.sel $0xFFFF  }
0xbf: {  	[dreg:$0x0] =	wrdreg $0xFFFFFFFF;
	(pc) =	sbr.abs _section_cstart, $3  }
0xc0: {  	[dreg:$0x1] =	wrdreg $0xFFFFFFFF  }
0xc1: {  	_ =	task.clear_ibuf [dreg:s7], $0x2FFFF;
	_ =	strace $0x9FFFFFFF  }
0xc2: {  	(tm) =	ssettm $0x7FFFFFFF  }
0xc3: {  	_ =	shalt  }
tec
execute0_lowered:
.L_overlay_start_1:
0x0: {  	(tag) =	ssettag $0x1  }
0x1: {  	s0 =	srdreg.scid  }
0x2: {  	s1 =	rddreg [dreg:$0x0];
	s2 =	stileid.u32  }
0x3: {  	s3 =	simm.s32 $0x0;
	s8 =	simm.s32 $0x4500;
	s9 =	simm.s32 $0x6  }
0x4: {  	s10 =	simm.s32 $0x80;
	s11 =	simm.s32 $0x1C00;
	s12 =	simm.s32 $0x4B40  }
0x5: {  	s13 =	simm.s32 $0x1C80;
	s14 =	simm.s32 $0x5B40;
	s15 =	simm.s32 $0x1D00  }
0x6: {  	s16 =	simm.s32 $0x6B40;
	s17 =	simm.s32 $0x1D80;
	s18 =	simm.s32 $0x7B40  }
0x7: {  	s19 =	simm.s32 $0x1E00;
	s20 =	simm.s32 $0x8B40;
	s21 =	simm.s32 $0x1  }
0x8: {  	s22 =	simm.s32 $0x2;
	s23 =	simm.s32 $0x3;
	s24 =	simm.s32 $0x4  }
0x9: {  	s25 =	simm.s32 $0x5;
	s26 =	simm.s32 $0x3500;
	s0 =	sand.u32 $0x1, s0  }
0xa: {  	v0 =	vlaneseq.u32;
	s28 =	simm.s32 $0x0;
	s5 =	sshll.u32 s2, $0x7;
	s4 =	sshll.u32 s0, $0xB  }
.Ltmp0:
0xb: {  	[smem:$0x7FF] =	sst s3;
	v0 =	vmul.u32 $0x38, v0;
	s4 =	sor.u32 s5, s4;
	(pc) =	sbr.rel .LBB2_1-.Ltmp0, $4  }
0xc: {  	_ =	strace $0x80000047;
	s0 =	ssub.s32 $0x2, s0;
	s5 =	smul.u32 $0x7, s4  }
0xd: {  	v8 =	vimm.f32 $0.0e+00;
	s31 =	sshrl.u32 s0, $0x1;
	v1 =	vadd.s32 $0x380, v0;
	s6 =	sshll.u32 s4, $0x2;
	s4 =	sadd.s32 $0xF42800, s1  }
0xe: {  	v2 =	vadd.s32 $0x700, v0;
	v3 =	vadd.s32 $0xA80, v0;
	v4 =	vadd.s32 $0xE00, v0;
	s0 =	ssub.s32 s0, s31;
	s5 =	sadd.s32 s5, s1;
	s1 =	sadd.s32 s6, s1  }
0xf: {  	v5 =	vadd.s32 $0x1180, v0;
	v6 =	vadd.s32 $0x1500, v0;
	v7 =	vadd.s32 $0x1880, v0;
	s7 =	smax.u32 s0, $0x1;
	s5 =	sadd.s32 $0x400, s5;
	s6 =	sadd.s32 $0x7400, s1  }
.LBB2_18:
0x10: {  	s28 =	sadd.s32 $0x1, s28  }
0x11: {  	p0 =	sne.s32 s28, s7  }
.Ltmp1:
0x12: {  	_ = 	snop;
	(pc) =	sbr.rel @!p0 .LBB2_19-.Ltmp1, $4  }
0x13: {  	[hbm4b:s6+s3] =	stream.linear.scatter [tilespmem:s26], [sflag:$0x6], $0x1000, $0x38;
	[tilespmem:$0x9B40] =	vst v63  }
0x14: {  	_ =	swait.ge [sflag:s9], $0x1000  }
0x15: {  	[sflag:s9] =	ssyncset.done $0x0  }
0x16: {  	[sflag:s9] =	ssyncadd.s32 $0xFFFFF000  }
.LBB2_1:
0x17: {  	s0 =	rddreg [dreg:$0x1]  }
0x18: {  	[tilespmem:s8], [sflag:$0x6] =	stream.linear.gather [hbm4b:s0+s3], $0x640, $0x38;
	[tilespmem:$0x9B40] =	vst v63  }
0x19: {  	v9 =	vmov s3;
	_ =	swait.ge [sflag:s9], $0x640  }
0x1a: {  	v9 =	vand.u32 $0x3F, v9;
	[sflag:s9] =	ssyncset.done $0x0  }
0x1b: {  	v10 =	vadd.s32 v0, v9;
	[sflag:s9] =	ssyncadd.s32 $0xFFFFF9C0  }
0x1c: {  	[tilespmem:s3], [sflag:$0x6] =	stream.linear.gather [hbm4b:s5+s3], $0x1C00, $0x38;
	[tilespmem:$0x9B40] =	vst v63  }
0x1d: {  	_ =	swait.ge [sflag:s9], $0x1C00  }
0x1e: {  	[sflag:s9] =	ssyncset.done $0x0  }
0x1f: {  	[sflag:s9] =	ssyncadd.s32 $0xFFFFE400  }
0x20: {  	v10 =	vld.idx.msk [tilespmem:v10+s3+$0x0], $0xffff  }
0x21: {  	v11 =	vadd.s32 v1, v9;
	_ =	sdelay $0x2  }
0x22: {  	s29 =	simm.s32 $0x1C40  }
0x23: {  	[tilespmem:s29+$0xFFFFFFC0] =	vst v10  }
0x24: {  	v10 =	vld.idx.msk [tilespmem:v11+s3+$0x0], $0xffff  }
0x25: {  	v11 =	vadd.s32 v2, v9;
	_ =	sdelay $0x3  }
0x26: {  	[tilespmem:s29+$0xFFFFFFD0] =	vst v10  }
0x27: {  	v10 =	vld.idx.msk [tilespmem:v11+s3+$0x0], $0xffff  }
0x28: {  	v11 =	vadd.s32 v3, v9;
	_ =	sdelay $0x3  }
0x29: {  	[tilespmem:s29+$0xFFFFFFE0] =	vst v10  }
0x2a: {  	v10 =	vld.idx.msk [tilespmem:v11+s3+$0x0], $0xffff  }
0x2b: {  	v11 =	vadd.s32 v4, v9;
	_ =	sdelay $0x3  }
0x2c: {  	[tilespmem:s29+$0xFFFFFFF0] =	vst v10  }
0x2d: {  	v10 =	vld.idx.msk [tilespmem:v11+s3+$0x0], $0xffff  }
0x2e: {  	v11 =	vadd.s32 v5, v9;
	_ =	sdelay $0x3  }
0x2f: {  	[tilespmem:s29+$0x0] =	vst v10  }
0x30: {  	v10 =	vld.idx.msk [tilespmem:v11+s3+$0x0], $0xffff  }
0x31: {  	v11 =	vadd.s32 v6, v9;
	_ =	sdelay $0x3  }
0x32: {  	[tilespmem:s29+$0x10] =	vst v10  }
0x33: {  	v10 =	vld.idx.msk [tilespmem:v11+s3+$0x0], $0xffff  }
0x34: {  	v9 =	vadd.s32 v7, v9;
	_ =	sdelay $0x3  }
0x35: {  	s31 =	simm.s32 $0x1;
	[tilespmem:s29+$0x20] =	vst v10  }
0x36: {  	s30 =	simm.s32 $0x2;
	v10 =	vmov s31;
	v9 =	vld.idx.msk [tilespmem:v9+s3+$0x0], $0xffff  }
.LBB2_2:
0x37: {  	p0 =	sne.s32 s30, $0x31;
	v10 =	vand.u32 $0x3F, v10  }
0x38: {  	v11 =	vadd.s32 v0, v10;
	_ =	sdelay $0x3  }
0x39: {  	[tilespmem:s29+$0x30] =	vst v9  }
0x3a: {  	v9 =	vld.idx.msk [tilespmem:v11+s3+$0x0], $0xffff;
	_ =	sdelay $0x1  }
0x3b: {  	v11 =	vadd.s32 v1, v10;
	_ =	sdelay $0x2  }
0x3c: {  	s29 =	sadd.s32 $0x80, s29  }
0x3d: {  	[tilespmem:s29+$0xFFFFFFC0] =	vst v9  }
0x3e: {  	v9 =	vld.idx.msk [tilespmem:v11+s3+$0x0], $0xffff;
	_ =	sdelay $0x1  }
0x3f: {  	v11 =	vadd.s32 v2, v10;
	_ =	sdelay $0x3  }
0x40: {  	[tilespmem:s29+$0xFFFFFFD0] =	vst v9  }
0x41: {  	v9 =	vld.idx.msk [tilespmem:v11+s3+$0x0], $0xffff;
	_ =	sdelay $0x1  }
0x42: {  	v11 =	vadd.s32 v3, v10;
	_ =	sdelay $0x3  }
0x43: {  	[tilespmem:s29+$0xFFFFFFE0] =	vst v9  }
0x44: {  	v9 =	vld.idx.msk [tilespmem:v11+s3+$0x0], $0xffff;
	_ =	sdelay $0x1  }
0x45: {  	v11 =	vadd.s32 v4, v10;
	_ =	sdelay $0x3  }
0x46: {  	[tilespmem:s29+$0xFFFFFFF0] =	vst v9  }
0x47: {  	v9 =	vld.idx.msk [tilespmem:v11+s3+$0x0], $0xffff;
	_ =	sdelay $0x1  }
0x48: {  	v11 =	vadd.s32 v5, v10;
	_ =	sdelay $0x3  }
0x49: {  	[tilespmem:s29+$0x0] =	vst v9  }
0x4a: {  	v9 =	vld.idx.msk [tilespmem:v11+s3+$0x0], $0xffff;
	_ =	sdelay $0x1  }
0x4b: {  	v11 =	vadd.s32 v6, v10;
	_ =	sdelay $0x3  }
0x4c: {  	[tilespmem:s29+$0x10] =	vst v9  }
0x4d: {  	v9 =	vld.idx.msk [tilespmem:v11+s3+$0x0], $0xffff;
	_ =	sdelay $0x1  }
0x4e: {  	v11 =	vadd.s32 v7, v10  }
.Ltmp2:
0x4f: {  	(pc) =	sbr.rel @p0 .LBB2_2-.Ltmp2, $3  }
0x50: {  	_ =	sdelay $0x1  }
0x51: {  	[tilespmem:s29+$0x20] =	vst v9  }
0x52: {  	v10 =	vmov s30;
	s30 =	sadd.s32 $0x1, s30;
	v9 =	vld.idx.msk [tilespmem:v11+s3+$0x0], $0xffff  }
0x53: {  	v10 =	vand.u32 $0x3F, v10  }
0x54: {  	v11 =	vadd.s32 v0, v10;
	_ =	sdelay $0x3  }
0x55: {  	[tilespmem:s29+$0x30] =	vst v9  }
0x56: {  	v9 =	vld.idx.msk [tilespmem:v11+s3+$0x0], $0xffff  }
0x57: {  	v11 =	vadd.s32 v1, v10;
	_ =	sdelay $0x2  }
0x58: {  	s0 =	sadd.s32 $0x80, s29  }
0x59: {  	[tilespmem:s0+$0xFFFFFFC0] =	vst v9  }
0x5a: {  	v9 =	vld.idx.msk [tilespmem:v11+s3+$0x0], $0xffff  }
0x5b: {  	v11 =	vadd.s32 v2, v10;
	_ =	sdelay $0x3  }
0x5c: {  	[tilespmem:s0+$0xFFFFFFD0] =	vst v9  }
0x5d: {  	v9 =	vld.idx.msk [tilespmem:v11+s3+$0x0], $0xffff  }
0x5e: {  	v11 =	vadd.s32 v3, v10;
	_ =	sdelay $0x3  }
0x5f: {  	[tilespmem:s0+$0xFFFFFFE0] =	vst v9  }
0x60: {  	v9 =	vld.idx.msk [tilespmem:v11+s3+$0x0], $0xffff  }
0x61: {  	v11 =	vadd.s32 v4, v10;
	_ =	sdelay $0x3  }
0x62: {  	[tilespmem:s0+$0xFFFFFFF0] =	vst v9  }
0x63: {  	v9 =	vld.idx.msk [tilespmem:v11+s3+$0x0], $0xffff  }
0x64: {  	v11 =	vadd.s32 v5, v10;
	_ =	sdelay $0x3  }
0x65: {  	[tilespmem:s0+$0x0] =	vst v9  }
0x66: {  	v9 =	vld.idx.msk [tilespmem:v11+s3+$0x0], $0xffff  }
0x67: {  	v11 =	vadd.s32 v6, v10;
	_ =	sdelay $0x3  }
0x68: {  	[tilespmem:s0+$0x10] =	vst v9  }
0x69: {  	v9 =	vld.idx.msk [tilespmem:v11+s3+$0x0], $0xffff  }
0x6a: {  	v10 =	vadd.s32 v7, v10;
	_ =	sdelay $0x3  }
0x6b: {  	[tilespmem:s0+$0x20] =	vst v9  }
0x6c: {  	v9 =	vld.idx.msk [tilespmem:v10+s3+$0x0], $0xffff;
	_ =	sdelay $0x4  }
0x6d: {  	[tilespmem:s0+$0x30] =	vst v9  }
0x6e: {  	[tilespmem:s12], [sflag:$0x1] =	stream.indirect.gather [hbm4b:s4+s10], $0x20, s11, s10, $0xb8;
	[tilespmem:$0x9B40] =	vst v63  }
0x6f: {  	_ = 	snop  }
0x70: {  	[tilespmem:s14], [sflag:$0x2] =	stream.indirect.gather [hbm4b:s4+s10], $0x20, s13, s10, $0xb8;
	[tilespmem:$0x9B40] =	vst v63  }
0x71: {  	_ = 	snop  }
0x72: {  	[tilespmem:s16], [sflag:$0x3] =	stream.indirect.gather [hbm4b:s4+s10], $0x20, s15, s10, $0xb8;
	[tilespmem:$0x9B40] =	vst v63  }
0x73: {  	_ = 	snop  }
0x74: {  	[tilespmem:s18], [sflag:$0x4] =	stream.indirect.gather [hbm4b:s4+s10], $0x20, s17, s10, $0xb8;
	[tilespmem:$0x9B40] =	vst v63  }
0x75: {  	s1 =	simm.s32 $0x0;
	s29 =	simm.s32 $0x0;
	s0 =	simm.s32 $0x80  }
0x76: {  	[tilespmem:s20], [sflag:$0x5] =	stream.indirect.gather [hbm4b:s4+s10], $0x20, s19, s10, $0xb8;
	[tilespmem:$0x9B40] =	vst v63  }
.LBB2_4:
0x77: {  	p0 =	sne.s32 s0, $0x3F80;
	[tilespmem:s1+$0x3500] =	vst v8;
	s30 =	smov.u32 s0;
	s0 =	sadd.s32 $0x80, s0  }
.Ltmp3:
0x78: {  	[tilespmem:s1+$0x3510] =	vst v8;
	(pc) =	sbr.rel @p0 .LBB2_4-.Ltmp3, $2  }
0x79: {  	_ =	sdelay $0x2  }
0x7a: {  	s1 =	sshra.s32 s30, $0x2  }
0x7b: {  	[tilespmem:s1+$0x3500] =	vst v8  }
0x7c: {  	[tilespmem:s1+$0x3510] =	vst v8  }
.LBB2_6:
0x7d: {  	_ =	swait.ge [sflag:s21], $0x1000;
	s0 =	smul.u32 $0x280, s29  }
0x7e: {  	[sflag:s21] =	ssyncset.done $0x0  }
0x7f: {  	[sflag:s21] =	ssyncadd.s32 $0xFFFFF000;
	s30 =	sshra.s32 s0, $0x2  }
0x80: {  	v9 =	vld [tilespmem:s30+$0x4500]  }
0x81: {  	s1 =	simm.s32 $0x0;
	s31 =	simm.s32 $0x200;
	v10 =	vld [tilespmem:s30+$0x4510]  }
.LBB2_7:
0x82: {  	p0 =	sne.s32 s31, $0x3E00;
	v11 =	vld [tilespmem:s1+$0x4BB0]  }
0x83: {  	v12 =	vld [tilespmem:s1+$0x4B40]  }
0x84: {  	v13 =	vld [tilespmem:s1+$0x4B50]  }
0x85: {  	v14 =	vld [tilespmem:s1+$0x4B60]  }
0x86: {  	v15 =	vld [tilespmem:s1+$0x4B70]  }
0x87: {  	v16 =	vld [tilespmem:s1+$0x4B80];
	v11 =	vmul.f32 v11, v10  }
0x88: {  	v12 =	vmul.f32 v12, v9;
	v17 =	vld [tilespmem:s1+$0x4B90]  }
0x89: {  	v13 =	vmul.f32 v13, v10;
	[tilespmem:s1+$0x3570] =	vst.add.f32.msk $0xffff, v11  }
0x8a: {  	v11 =	vmul.f32 v14, v9;
	v14 =	vld [tilespmem:s1+$0x4BA0]  }
0x8b: {  	[tilespmem:s1+$0x3500] =	vst.add.f32.msk $0xffff, v12;
	v12 =	vmul.f32 v15, v10  }
0x8c: {  	[tilespmem:s1+$0x3510] =	vst.add.f32.msk $0xffff, v13;
	v13 =	vmul.f32 v16, v9  }
.Ltmp4:
0x8d: {  	[tilespmem:s1+$0x3520] =	vst.add.f32.msk $0xffff, v11;
	v11 =	vmul.f32 v17, v10;
	(pc) =	sbr.rel @p0 .LBB2_7-.Ltmp4, $4  }
0x8e: {  	[tilespmem:s1+$0x3530] =	vst.add.f32.msk $0xffff, v12  }
0x8f: {  	[tilespmem:s1+$0x3540] =	vst.add.f32.msk $0xffff, v13;
	v12 =	vmul.f32 v14, v9  }
0x90: {  	[tilespmem:s1+$0x3550] =	vst.add.f32.msk $0xffff, v11  }
0x91: {  	[tilespmem:s1+$0x3560] =	vst.add.f32.msk $0xffff, v12;
	s1 =	sshra.s32 s31, $0x2;
	s31 =	sadd.s32 $0x200, s31  }
0x92: {  	v11 =	vld [tilespmem:s1+$0x4BB0]  }
0x93: {  	v12 =	vld [tilespmem:s1+$0x4B40]  }
0x94: {  	v13 =	vld [tilespmem:s1+$0x4B50]  }
0x95: {  	v14 =	vld [tilespmem:s1+$0x4B60]  }
0x96: {  	v15 =	vld [tilespmem:s1+$0x4B70]  }
0x97: {  	v16 =	vld [tilespmem:s1+$0x4B80]  }
0x98: {  	v17 =	vld [tilespmem:s1+$0x4B90];
	v11 =	vmul.f32 v11, v10  }
0x99: {  	v62 =	vld [tilespmem:s1+$0x4BA0];
	v12 =	vmul.f32 v12, v9  }
0x9a: {  	v14 =	vmul.f32 v14, v9;
	[tilespmem:s1+$0x3570] =	vst.add.f32.msk $0xffff, v11  }
0x9b: {  	v63 =	vmul.f32 v15, v10;
	[tilespmem:s1+$0x3500] =	vst.add.f32.msk $0xffff, v12  }
0x9c: {  	v11 =	vmul.f32 v13, v10;
	[tilespmem:s1+$0x3520] =	vst.add.f32.msk $0xffff, v14  }
0x9d: {  	p0 =	seq.s32 s29, $0x9;
	v10 =	vmul.f32 v17, v10;
	[tilespmem:s1+$0x3530] =	vst.add.f32.msk $0xffff, v63  }
0x9e: {  	s0 =	smul.u32 @!p0 $0xA00, s29;
	[tilespmem:s1+$0x3510] =	vst.add.f32.msk $0xffff, v11;
	v11 =	vmul.f32 v16, v9  }
0x9f: {  	v9 =	vmul.f32 v62, v9;
	[tilespmem:s1+$0x3550] =	vst.add.f32.msk $0xffff, v10  }
0xa0: {  	s31 =	sshra.s32 @!p0 s0, $0x2;
	[tilespmem:s1+$0x3540] =	vst.add.f32.msk $0xffff, v11  }
0xa1: {  	s2 =	simm.s32 @!p0 $0x4B40;
	s0 =	sadd.s32 @!p0 $0x1E80, s31;
	[tilespmem:s1+$0x3560] =	vst.add.f32.msk $0xffff, v9;
	s1 =	simm.s32 @!p0 $0x80  }
0xa2: {  	[tilespmem:s2], [sflag:$0x1] =	stream.indirect.gather @!p0 [hbm4b:s4+s1], $0x20, s0, s1, $0xb8;
	[tilespmem:$0x9B40] =	vst v63  }
0xa3: {  	_ =	swait.ge [sflag:s22], $0x1000  }
0xa4: {  	[sflag:s22] =	ssyncset.done $0x0  }
0xa5: {  	[sflag:s22] =	ssyncadd.s32 $0xFFFFF000  }
0xa6: {  	v9 =	vld [tilespmem:s30+$0x4520]  }
0xa7: {  	s1 =	simm.s32 $0x0;
	s0 =	simm.s32 $0x200;
	v10 =	vld [tilespmem:s30+$0x4530]  }
.LBB2_9:
0xa8: {  	p1 =	sne.s32 s0, $0x3E00;
	v11 =	vld [tilespmem:s1+$0x5BB0]  }
0xa9: {  	v12 =	vld [tilespmem:s1+$0x5B40]  }
0xaa: {  	v13 =	vld [tilespmem:s1+$0x5B50]  }
0xab: {  	v14 =	vld [tilespmem:s1+$0x5B60]  }
0xac: {  	v15 =	vld [tilespmem:s1+$0x5B70]  }
0xad: {  	v16 =	vld [tilespmem:s1+$0x5B80];
	v11 =	vmul.f32 v11, v10  }
0xae: {  	v12 =	vmul.f32 v12, v9;
	v17 =	vld [tilespmem:s1+$0x5B90]  }
0xaf: {  	v13 =	vmul.f32 v13, v10;
	[tilespmem:s1+$0x3570] =	vst.add.f32.msk $0xffff, v11  }
0xb0: {  	v11 =	vmul.f32 v14, v9;
	v14 =	vld [tilespmem:s1+$0x5BA0]  }
0xb1: {  	[tilespmem:s1+$0x3500] =	vst.add.f32.msk $0xffff, v12;
	v12 =	vmul.f32 v15, v10  }
0xb2: {  	[tilespmem:s1+$0x3510] =	vst.add.f32.msk $0xffff, v13;
	v13 =	vmul.f32 v16, v9  }
.Ltmp5:
0xb3: {  	[tilespmem:s1+$0x3520] =	vst.add.f32.msk $0xffff, v11;
	v11 =	vmul.f32 v17, v10;
	(pc) =	sbr.rel @p1 .LBB2_9-.Ltmp5, $4  }
0xb4: {  	[tilespmem:s1+$0x3530] =	vst.add.f32.msk $0xffff, v12  }
0xb5: {  	[tilespmem:s1+$0x3540] =	vst.add.f32.msk $0xffff, v13;
	v12 =	vmul.f32 v14, v9  }
0xb6: {  	[tilespmem:s1+$0x3550] =	vst.add.f32.msk $0xffff, v11  }
0xb7: {  	[tilespmem:s1+$0x3560] =	vst.add.f32.msk $0xffff, v12;
	s1 =	sshra.s32 s0, $0x2;
	s0 =	sadd.s32 $0x200, s0  }
0xb8: {  	v11 =	vld [tilespmem:s1+$0x5BB0]  }
0xb9: {  	v12 =	vld [tilespmem:s1+$0x5B40]  }
0xba: {  	v13 =	vld [tilespmem:s1+$0x5B50]  }
0xbb: {  	v14 =	vld [tilespmem:s1+$0x5B60]  }
0xbc: {  	v15 =	vld [tilespmem:s1+$0x5B70]  }
0xbd: {  	v16 =	vld [tilespmem:s1+$0x5B80]  }
0xbe: {  	v17 =	vld [tilespmem:s1+$0x5B90];
	v11 =	vmul.f32 v11, v10  }
0xbf: {  	v62 =	vld [tilespmem:s1+$0x5BA0];
	v12 =	vmul.f32 v12, v9  }
0xc0: {  	v14 =	vmul.f32 v14, v9;
	[tilespmem:s1+$0x3570] =	vst.add.f32.msk $0xffff, v11  }
0xc1: {  	v63 =	vmul.f32 v15, v10;
	[tilespmem:s1+$0x3500] =	vst.add.f32.msk $0xffff, v12  }
0xc2: {  	v11 =	vmul.f32 v13, v10;
	[tilespmem:s1+$0x3520] =	vst.add.f32.msk $0xffff, v14  }
0xc3: {  	v10 =	vmul.f32 v17, v10;
	[tilespmem:s1+$0x3530] =	vst.add.f32.msk $0xffff, v63  }
0xc4: {  	[tilespmem:s1+$0x3510] =	vst.add.f32.msk $0xffff, v11;
	v11 =	vmul.f32 v16, v9  }
0xc5: {  	v9 =	vmul.f32 v62, v9;
	[tilespmem:s1+$0x3550] =	vst.add.f32.msk $0xffff, v10  }
0xc6: {  	[tilespmem:s1+$0x3540] =	vst.add.f32.msk $0xffff, v11  }
0xc7: {  	s0 =	sadd.s32 @!p0 $0x1F00, s31;
	s2 =	simm.s32 @!p0 $0x5B40;
	[tilespmem:s1+$0x3560] =	vst.add.f32.msk $0xffff, v9;
	s1 =	simm.s32 @!p0 $0x80  }
0xc8: {  	[tilespmem:s2], [sflag:$0x2] =	stream.indirect.gather @!p0 [hbm4b:s4+s1], $0x20, s0, s1, $0xb8;
	[tilespmem:$0x9B40] =	vst v63  }
0xc9: {  	_ =	swait.ge [sflag:s23], $0x1000  }
0xca: {  	[sflag:s23] =	ssyncset.done $0x0  }
0xcb: {  	[sflag:s23] =	ssyncadd.s32 $0xFFFFF000  }
0xcc: {  	v9 =	vld [tilespmem:s30+$0x4540]  }
0xcd: {  	s1 =	simm.s32 $0x0;
	s0 =	simm.s32 $0x200;
	v10 =	vld [tilespmem:s30+$0x4550]  }
.LBB2_11:
0xce: {  	p1 =	sne.s32 s0, $0x3E00;
	v11 =	vld [tilespmem:s1+$0x6BB0]  }
0xcf: {  	v12 =	vld [tilespmem:s1+$0x6B40]  }
0xd0: {  	v13 =	vld [tilespmem:s1+$0x6B50]  }
0xd1: {  	v14 =	vld [tilespmem:s1+$0x6B60]  }
0xd2: {  	v15 =	vld [tilespmem:s1+$0x6B70]  }
0xd3: {  	v16 =	vld [tilespmem:s1+$0x6B80];
	v11 =	vmul.f32 v11, v10  }
0xd4: {  	v12 =	vmul.f32 v12, v9;
	v17 =	vld [tilespmem:s1+$0x6B90]  }
0xd5: {  	v13 =	vmul.f32 v13, v10;
	[tilespmem:s1+$0x3570] =	vst.add.f32.msk $0xffff, v11  }
0xd6: {  	v11 =	vmul.f32 v14, v9;
	v14 =	vld [tilespmem:s1+$0x6BA0]  }
0xd7: {  	[tilespmem:s1+$0x3500] =	vst.add.f32.msk $0xffff, v12;
	v12 =	vmul.f32 v15, v10  }
0xd8: {  	[tilespmem:s1+$0x3510] =	vst.add.f32.msk $0xffff, v13;
	v13 =	vmul.f32 v16, v9  }
.Ltmp6:
0xd9: {  	[tilespmem:s1+$0x3520] =	vst.add.f32.msk $0xffff, v11;
	v11 =	vmul.f32 v17, v10;
	(pc) =	sbr.rel @p1 .LBB2_11-.Ltmp6, $4  }
0xda: {  	[tilespmem:s1+$0x3530] =	vst.add.f32.msk $0xffff, v12  }
0xdb: {  	[tilespmem:s1+$0x3540] =	vst.add.f32.msk $0xffff, v13;
	v12 =	vmul.f32 v14, v9  }
0xdc: {  	[tilespmem:s1+$0x3550] =	vst.add.f32.msk $0xffff, v11  }
0xdd: {  	[tilespmem:s1+$0x3560] =	vst.add.f32.msk $0xffff, v12;
	s1 =	sshra.s32 s0, $0x2;
	s0 =	sadd.s32 $0x200, s0  }
0xde: {  	v11 =	vld [tilespmem:s1+$0x6BB0]  }
0xdf: {  	v12 =	vld [tilespmem:s1+$0x6B40]  }
0xe0: {  	v13 =	vld [tilespmem:s1+$0x6B50]  }
0xe1: {  	v14 =	vld [tilespmem:s1+$0x6B60]  }
0xe2: {  	v15 =	vld [tilespmem:s1+$0x6B70]  }
0xe3: {  	v16 =	vld [tilespmem:s1+$0x6B80]  }
0xe4: {  	v17 =	vld [tilespmem:s1+$0x6B90];
	v11 =	vmul.f32 v11, v10  }
0xe5: {  	v62 =	vld [tilespmem:s1+$0x6BA0];
	v12 =	vmul.f32 v12, v9  }
0xe6: {  	v14 =	vmul.f32 v14, v9;
	[tilespmem:s1+$0x3570] =	vst.add.f32.msk $0xffff, v11  }
0xe7: {  	v63 =	vmul.f32 v15, v10;
	[tilespmem:s1+$0x3500] =	vst.add.f32.msk $0xffff, v12  }
0xe8: {  	v11 =	vmul.f32 v13, v10;
	[tilespmem:s1+$0x3520] =	vst.add.f32.msk $0xffff, v14  }
0xe9: {  	v10 =	vmul.f32 v17, v10;
	[tilespmem:s1+$0x3530] =	vst.add.f32.msk $0xffff, v63  }
0xea: {  	[tilespmem:s1+$0x3510] =	vst.add.f32.msk $0xffff, v11;
	v11 =	vmul.f32 v16, v9  }
0xeb: {  	v9 =	vmul.f32 v62, v9;
	[tilespmem:s1+$0x3550] =	vst.add.f32.msk $0xffff, v10  }
0xec: {  	[tilespmem:s1+$0x3540] =	vst.add.f32.msk $0xffff, v11  }
0xed: {  	s0 =	sadd.s32 @!p0 $0x1F80, s31;
	s2 =	simm.s32 @!p0 $0x6B40;
	[tilespmem:s1+$0x3560] =	vst.add.f32.msk $0xffff, v9;
	s1 =	simm.s32 @!p0 $0x80  }
0xee: {  	[tilespmem:s2], [sflag:$0x3] =	stream.indirect.gather @!p0 [hbm4b:s4+s1], $0x20, s0, s1, $0xb8;
	[tilespmem:$0x9B40] =	vst v63  }
0xef: {  	_ =	swait.ge [sflag:s24], $0x1000  }
0xf0: {  	[sflag:s24] =	ssyncset.done $0x0  }
0xf1: {  	[sflag:s24] =	ssyncadd.s32 $0xFFFFF000  }
0xf2: {  	v9 =	vld [tilespmem:s30+$0x4560]  }
0xf3: {  	s1 =	simm.s32 $0x0;
	s0 =	simm.s32 $0x200;
	v10 =	vld [tilespmem:s30+$0x4570]  }
.LBB2_13:
0xf4: {  	p1 =	sne.s32 s0, $0x3E00;
	v11 =	vld [tilespmem:s1+$0x7BB0]  }
0xf5: {  	v12 =	vld [tilespmem:s1+$0x7B40]  }
0xf6: {  	v13 =	vld [tilespmem:s1+$0x7B50]  }
0xf7: {  	v14 =	vld [tilespmem:s1+$0x7B60]  }
0xf8: {  	v15 =	vld [tilespmem:s1+$0x7B70]  }
0xf9: {  	v16 =	vld [tilespmem:s1+$0x7B80];
	v11 =	vmul.f32 v11, v10  }
0xfa: {  	v12 =	vmul.f32 v12, v9;
	v17 =	vld [tilespmem:s1+$0x7B90]  }
0xfb: {  	v13 =	vmul.f32 v13, v10;
	[tilespmem:s1+$0x3570] =	vst.add.f32.msk $0xffff, v11  }
0xfc: {  	v11 =	vmul.f32 v14, v9;
	v14 =	vld [tilespmem:s1+$0x7BA0]  }
0xfd: {  	[tilespmem:s1+$0x3500] =	vst.add.f32.msk $0xffff, v12;
	v12 =	vmul.f32 v15, v10  }
0xfe: {  	[tilespmem:s1+$0x3510] =	vst.add.f32.msk $0xffff, v13;
	v13 =	vmul.f32 v16, v9  }
.Ltmp7:
0xff: {  	[tilespmem:s1+$0x3520] =	vst.add.f32.msk $0xffff, v11;
	v11 =	vmul.f32 v17, v10;
	(pc) =	sbr.rel @p1 .LBB2_13-.Ltmp7, $4  }
0x100: {  	[tilespmem:s1+$0x3530] =	vst.add.f32.msk $0xffff, v12  }
0x101: {  	[tilespmem:s1+$0x3540] =	vst.add.f32.msk $0xffff, v13;
	v12 =	vmul.f32 v14, v9  }
0x102: {  	[tilespmem:s1+$0x3550] =	vst.add.f32.msk $0xffff, v11  }
0x103: {  	[tilespmem:s1+$0x3560] =	vst.add.f32.msk $0xffff, v12;
	s1 =	sshra.s32 s0, $0x2;
	s0 =	sadd.s32 $0x200, s0  }
0x104: {  	v11 =	vld [tilespmem:s1+$0x7BB0]  }
0x105: {  	v12 =	vld [tilespmem:s1+$0x7B40]  }
0x106: {  	v13 =	vld [tilespmem:s1+$0x7B50]  }
0x107: {  	v14 =	vld [tilespmem:s1+$0x7B60]  }
0x108: {  	v15 =	vld [tilespmem:s1+$0x7B70]  }
0x109: {  	v16 =	vld [tilespmem:s1+$0x7B80]  }
0x10a: {  	v17 =	vld [tilespmem:s1+$0x7B90];
	v11 =	vmul.f32 v11, v10  }
0x10b: {  	v62 =	vld [tilespmem:s1+$0x7BA0];
	v12 =	vmul.f32 v12, v9  }
0x10c: {  	v14 =	vmul.f32 v14, v9;
	[tilespmem:s1+$0x3570] =	vst.add.f32.msk $0xffff, v11  }
0x10d: {  	v63 =	vmul.f32 v15, v10;
	[tilespmem:s1+$0x3500] =	vst.add.f32.msk $0xffff, v12  }
0x10e: {  	v11 =	vmul.f32 v13, v10;
	[tilespmem:s1+$0x3520] =	vst.add.f32.msk $0xffff, v14  }
0x10f: {  	v10 =	vmul.f32 v17, v10;
	[tilespmem:s1+$0x3530] =	vst.add.f32.msk $0xffff, v63  }
0x110: {  	[tilespmem:s1+$0x3510] =	vst.add.f32.msk $0xffff, v11;
	v11 =	vmul.f32 v16, v9  }
0x111: {  	v9 =	vmul.f32 v62, v9;
	[tilespmem:s1+$0x3550] =	vst.add.f32.msk $0xffff, v10  }
0x112: {  	[tilespmem:s1+$0x3540] =	vst.add.f32.msk $0xffff, v11  }
0x113: {  	s0 =	sadd.s32 @!p0 $0x2000, s31;
	s2 =	simm.s32 @!p0 $0x7B40;
	[tilespmem:s1+$0x3560] =	vst.add.f32.msk $0xffff, v9;
	s1 =	simm.s32 @!p0 $0x80  }
0x114: {  	[tilespmem:s2], [sflag:$0x4] =	stream.indirect.gather @!p0 [hbm4b:s4+s1], $0x20, s0, s1, $0xb8;
	[tilespmem:$0x9B40] =	vst v63  }
0x115: {  	_ =	swait.ge [sflag:s25], $0x1000  }
0x116: {  	[sflag:s25] =	ssyncset.done $0x0  }
0x117: {  	[sflag:s25] =	ssyncadd.s32 $0xFFFFF000  }
0x118: {  	v9 =	vld [tilespmem:s30+$0x4580]  }
0x119: {  	s1 =	simm.s32 $0x0;
	s0 =	simm.s32 $0x200;
	v10 =	vld [tilespmem:s30+$0x4590]  }
.LBB2_15:
0x11a: {  	p1 =	sne.s32 s0, $0x3E00;
	v11 =	vld [tilespmem:s1+$0x8BB0]  }
0x11b: {  	v12 =	vld [tilespmem:s1+$0x8B40]  }
0x11c: {  	v13 =	vld [tilespmem:s1+$0x8B50]  }
0x11d: {  	v14 =	vld [tilespmem:s1+$0x8B60]  }
0x11e: {  	v15 =	vld [tilespmem:s1+$0x8B70]  }
0x11f: {  	v16 =	vld [tilespmem:s1+$0x8B80];
	v11 =	vmul.f32 v11, v10  }
0x120: {  	v12 =	vmul.f32 v12, v9;
	v17 =	vld [tilespmem:s1+$0x8B90]  }
0x121: {  	v13 =	vmul.f32 v13, v10;
	[tilespmem:s1+$0x3570] =	vst.add.f32.msk $0xffff, v11  }
0x122: {  	v11 =	vmul.f32 v14, v9;
	v14 =	vld [tilespmem:s1+$0x8BA0]  }
0x123: {  	[tilespmem:s1+$0x3500] =	vst.add.f32.msk $0xffff, v12;
	v12 =	vmul.f32 v15, v10  }
0x124: {  	[tilespmem:s1+$0x3510] =	vst.add.f32.msk $0xffff, v13;
	v13 =	vmul.f32 v16, v9  }
.Ltmp8:
0x125: {  	[tilespmem:s1+$0x3520] =	vst.add.f32.msk $0xffff, v11;
	v11 =	vmul.f32 v17, v10;
	(pc) =	sbr.rel @p1 .LBB2_15-.Ltmp8, $4  }
0x126: {  	[tilespmem:s1+$0x3530] =	vst.add.f32.msk $0xffff, v12  }
0x127: {  	[tilespmem:s1+$0x3540] =	vst.add.f32.msk $0xffff, v13;
	v12 =	vmul.f32 v14, v9  }
0x128: {  	[tilespmem:s1+$0x3550] =	vst.add.f32.msk $0xffff, v11  }
0x129: {  	[tilespmem:s1+$0x3560] =	vst.add.f32.msk $0xffff, v12;
	s1 =	sshra.s32 s0, $0x2;
	s0 =	sadd.s32 $0x200, s0  }
0x12a: {  	v11 =	vld [tilespmem:s1+$0x8BB0]  }
0x12b: {  	v12 =	vld [tilespmem:s1+$0x8B40]  }
0x12c: {  	v13 =	vld [tilespmem:s1+$0x8B50]  }
0x12d: {  	v14 =	vld [tilespmem:s1+$0x8B60]  }
0x12e: {  	v15 =	vld [tilespmem:s1+$0x8B70]  }
0x12f: {  	v16 =	vld [tilespmem:s1+$0x8B80]  }
0x130: {  	v17 =	vld [tilespmem:s1+$0x8B90];
	v11 =	vmul.f32 v11, v10  }
0x131: {  	v62 =	vld [tilespmem:s1+$0x8BA0];
	v12 =	vmul.f32 v12, v9  }
0x132: {  	v14 =	vmul.f32 v14, v9;
	[tilespmem:s1+$0x3570] =	vst.add.f32.msk $0xffff, v11  }
0x133: {  	v63 =	vmul.f32 v15, v10;
	[tilespmem:s1+$0x3500] =	vst.add.f32.msk $0xffff, v12  }
0x134: {  	v11 =	vmul.f32 v13, v10;
	[tilespmem:s1+$0x3520] =	vst.add.f32.msk $0xffff, v14  }
.Ltmp9:
0x135: {  	v10 =	vmul.f32 v17, v10;
	[tilespmem:s1+$0x3530] =	vst.add.f32.msk $0xffff, v63;
	(pc) =	sbr.rel @p0 .LBB2_18-.Ltmp9, $4  }
0x136: {  	[tilespmem:s1+$0x3510] =	vst.add.f32.msk $0xffff, v11;
	v11 =	vmul.f32 v16, v9  }
0x137: {  	v9 =	vmul.f32 v62, v9;
	[tilespmem:s1+$0x3550] =	vst.add.f32.msk $0xffff, v10  }
0x138: {  	[tilespmem:s1+$0x3540] =	vst.add.f32.msk $0xffff, v11  }
0x139: {  	[tilespmem:s1+$0x3560] =	vst.add.f32.msk $0xffff, v9  }
0x13a: {  	s0 =	smul.u32 $0xA00, s29  }
.Ltmp10:
0x13b: {  	_ = 	snop;
	(pc) =	sbr.rel .LBB2_6-.Ltmp10, $4  }
0x13c: {  	_ = 	snop  }
0x13d: {  	s0 =	sshra.s32 s0, $0x2  }
0x13e: {  	s29 =	sadd.s32 $0x1, s29;
	s0 =	sadd.s32 $0x2080, s0  }
0x13f: {  	[tilespmem:s20], [sflag:$0x5] =	stream.indirect.gather [hbm4b:s4+s10], $0x20, s0, s10, $0xb8;
	[tilespmem:$0x9B40] =	vst v63  }
.LBB2_19:
0x140: {  	_ =	sfence.sel $0x180000  }
0x141: {  	[bflag:$0x0] =	sbarrier.arrive $0xFFFF  }
0x142: {  	_ =	strace $0x90000047  }
0x143: {  	s0 =	stileid.u32;
	[bflag:$0x2] =	sbarrier.arrive $0xFFFF  }
0x144: {  	p0 =	sne.s32 s0, $0x0;
	s0 =	rddreg [dreg:$0x2]  }
0x145: {  	s0 =	sadd.s32 @!p0 $0x100000, s0  }
0x146: {  	[sflag:s0] =	ssyncadd.tile.s32 @!p0 $0x1;
	_ =	shalt  }
.Lfunc_end2:
_tile_overlayer_lowered:
.L_overlay_start_2:
0x147: {  	(tag) =	ssettag $0x2  }
0x148: {  	s0 =	rddreg [dreg:$0x0];
	s2 =	stileid.u32  }
0x149: {  	s1 =	rddreg [dreg:$0x1];
	p0 =	sne.s32 s2, $0x0  }
0x14a: {  	s3 =	rddreg [dreg:$0x2];
	[bflag:$0x3] =	sbarrier.arrive $0xFFFF;
	s2 =	simm.s32 @!p0 $0x1C06  }
0x14b: {  	[timem:s3], [sflag:s2] =	dma.local @!p0 [hbm:s0], s1  }
0x14c: {  	s0 =	simm.s32 @!p0 $0x6  }
0x14d: {  	_ =	swait.ge @!p0 [sflag:s0], s1  }
0x14e: {  	s1 =	ssub.s32 @!p0 $0x0, s1;
	[sflag:s0] =	ssyncset.done @!p0 $0x0  }
0x14f: {  	[sflag:s0] =	ssyncadd.s32 @!p0 s1  }
0x150: {  	[bflag:$0x3] =	sbarrier.arrive $0xFFFF  }
0x151: {  	_ =	shalt  }

</sc_bundles>
